<compile_context>
chip_gen: v7x
topology: tpu7x:2x2x1
jax: 0.10.2.dev20260603
libtpu: 0.0.44.dev20260713+nightly
codegen_flags: <defaults>
</compile_context>

<pallas_src>
import functools

import jax
import jax.numpy as jnp
from jax import lax
from jax.experimental import pallas as pl
from jax.experimental.pallas import tpu as pltpu
from jax.experimental.pallas import tpu_sc as plsc


def _sc_hit_kernel(n_rows: int, idx_rows: int):
    H = n_rows // 2
    PAD = 64
    ZC = 4096
    ZT = (H // 16 // 8) * 8
    TAIL = H - 16 * ZT
    NFULL = ZT // ZC
    ZREM = ZT - NFULL * ZC
    rows_per_tile = idx_rows // 16

    mesh = plsc.VectorSubcoreMesh(core_axis_name="c", subcore_axis_name="s")

    @functools.partial(
        pl.kernel,
        out_type=jax.ShapeDtypeStruct((n_rows,), jnp.int32),
        mesh=mesh,
        scratch_types=[
            pltpu.VMEM((ZC,), jnp.int32),
            pltpu.VMEM((rows_per_tile, 128), jnp.int32),
            pltpu.VMEM((128,), jnp.int32),
            pltpu.VMEM((128,), jnp.int32),
            pltpu.VMEM((ZT,), jnp.int32),
            pltpu.VMEM_SHARED((H + PAD,), jnp.int32),
            pltpu.SemaphoreType.DMA,
            pltpu.SemaphoreType.DMA,
        ],
    )
    def hit_kernel(idx01_hbm, zeros_hbm, hit, zbuf, idxv, ones_v,
                   pad_idx, stage, spbuf, zsem, sem):
        c = lax.axis_index("c")
        s = lax.axis_index("s")
        base = s * ZT

        pltpu.sync_copy(zeros_hbm, zbuf)

        hs = [
            pltpu.async_copy(zbuf, spbuf.at[pl.ds(base + j * ZC, ZC)], zsem)
            for j in range(NFULL)
        ]
        if ZREM:
            hs.append(pltpu.async_copy(
                zbuf.at[pl.ds(0, ZREM)],
                spbuf.at[pl.ds(base + NFULL * ZC, ZREM)], zsem))
        if TAIL:
            @pl.when(s == 15)
            def _():
                pltpu.async_copy(
                    zbuf.at[pl.ds(0, TAIL)],
                    spbuf.at[pl.ds(16 * ZT, TAIL)], zsem).wait()

        pltpu.sync_copy(
            idx01_hbm.at[c, pl.ds(s * rows_per_tile, rows_per_tile)], idxv)

        for i in range(128 // 16):
            ones_v[pl.ds(i * 16, 16)] = jnp.ones((16,), jnp.int32)
            pad_idx[pl.ds(i * 16, 16)] = jnp.full((16,), H, jnp.int32)
        for h in hs:
            h.wait()

        plsc.subcore_barrier()

        handles = [
            pltpu.async_copy(ones_v, spbuf.at[idxv.at[j]], sem, add=True)
            for j in range(rows_per_tile)
        ]
        handles.append(
            pltpu.async_copy(ones_v, spbuf.at[pad_idx], sem, add=True))
        for h in handles:
            h.wait()

        plsc.subcore_barrier()

        out_base = c * H + base
        pltpu.sync_copy(spbuf.at[pl.ds(base, ZT)], stage)
        pltpu.sync_copy(stage, hit.at[pl.ds(out_base, ZT)])
        if TAIL:
            @pl.when(s == 15)
            def _():
                pltpu.sync_copy(spbuf.at[pl.ds(16 * ZT, TAIL)],
                                stage.at[pl.ds(0, TAIL)])
                pltpu.sync_copy(stage.at[pl.ds(0, TAIL)],
                                hit.at[pl.ds(c * H + 16 * ZT, TAIL)])

    return hit_kernel


def _tc_body(m_i, s_i, q_i, r_i, o_i, pm_i, h_i,
             m_o, s_o, q_o, r_o, o_o, pm_o):
    keep = h_i[...] == 0
    kf = keep.astype(jnp.float32)
    m_o[...] = m_i[...] * kf
    s_o[...] = s_i[...] * kf
    q_o[...] = q_i[...] * kf
    r_o[...] = r_i[...] * kf
    o_o[...] = o_i[...] * kf
    pm_o[...] = jnp.logical_and(pm_i[...], keep)


def kernel(means_3d, scales, quats, rgbs, opacities, persistent_mask, indices):
    n = means_3d.shape[0]
    k = indices.shape[0]
    half = n // 2
    idx = indices.astype(jnp.int32)
    idx0 = jnp.where(idx < half, idx, half)
    idx1 = jnp.where(idx >= half, idx - half, half)
    idx01 = jnp.stack([idx0, idx1]).reshape(2, k // 128, 128)
    zeros_in = jnp.zeros((4096,), jnp.int32)

    hit = _sc_hit_kernel(n, k // 128)(idx01, zeros_in)

    b = 49152
    grid = (n + b - 1) // b

    def col_spec(w):
        return pl.BlockSpec((w, b), lambda g: (0, g))

    widths = [means_3d.shape[1], scales.shape[1], quats.shape[1],
              rgbs.shape[1], opacities.shape[1]]
    out_shapes = (
        jax.ShapeDtypeStruct((widths[0], n), jnp.float32),
        jax.ShapeDtypeStruct((widths[1], n), jnp.float32),
        jax.ShapeDtypeStruct((widths[2], n), jnp.float32),
        jax.ShapeDtypeStruct((widths[3], n), jnp.float32),
        jax.ShapeDtypeStruct((widths[4], n), jnp.float32),
        jax.ShapeDtypeStruct((1, n), jnp.bool_),
    )
    outs = pl.pallas_call(
        _tc_body,
        grid=grid,
        in_specs=[col_spec(w) for w in widths] + [col_spec(1), col_spec(1)],
        out_specs=[col_spec(w) for w in widths] + [col_spec(1)],
        out_shape=out_shapes,
    )(jnp.swapaxes(means_3d, 0, 1), jnp.swapaxes(scales, 0, 1),
      jnp.swapaxes(quats, 0, 1), jnp.swapaxes(rgbs, 0, 1),
      jnp.swapaxes(opacities, 0, 1),
      persistent_mask.reshape(1, n), hit.reshape(1, n))

    m_o, s_o, q_o, r_o, o_o, pm_o = outs
    return (jnp.swapaxes(m_o, 0, 1), jnp.swapaxes(s_o, 0, 1),
            jnp.swapaxes(q_o, 0, 1), jnp.swapaxes(r_o, 0, 1),
            jnp.swapaxes(o_o, 0, 1), pm_o.reshape(n))

# --- scband reference (transcript-rebuilt; emitter-appended) ---
"""Pipeline reference for scband-gauss-model-11158325035564 (READ-ONLY COPY).

The authoritative reference and input builder live on the scoring server;
editing this copy changes nothing except your own understanding.
"""

import math
import jax, jax.numpy as jnp
import numpy as np

NUM_PRIMARYS = 500000
NUM_BACKUPS = 500000
N = NUM_PRIMARYS + NUM_BACKUPS
NUM_IDX = 65536


def setup_inputs(seed: int = 0) -> dict:
    key = jax.random.key(seed)
    ks = jax.random.split(key, 7)
    means_3d = 2.0 * (jax.random.uniform(ks[0], (N, 3), dtype=jnp.float32) - 0.5)
    scales = jax.random.uniform(ks[1], (N, 3), dtype=jnp.float32) * 0.5
    rgbs = jax.random.uniform(ks[2], (N, 15), dtype=jnp.float32)
    u = jax.random.uniform(ks[3], (N, 1), dtype=jnp.float32)
    v = jax.random.uniform(ks[4], (N, 1), dtype=jnp.float32)
    w = jax.random.uniform(ks[5], (N, 1), dtype=jnp.float32)
    quats = jnp.concatenate([
        jnp.sqrt(1.0 - u) * jnp.sin(2.0 * math.pi * v),
        jnp.sqrt(1.0 - u) * jnp.cos(2.0 * math.pi * v),
        jnp.sqrt(u) * jnp.sin(2.0 * math.pi * w),
        jnp.sqrt(u) * jnp.cos(2.0 * math.pi * w),
    ], axis=-1)
    opacities = jnp.ones((N, 1), dtype=jnp.float32)
    persistent_mask = jnp.concatenate([
        jnp.ones((NUM_PRIMARYS,), dtype=bool),
        jnp.zeros((NUM_BACKUPS,), dtype=bool),
    ], axis=0)
    indices = jax.random.randint(ks[6], (NUM_IDX,), 0, N, dtype=jnp.int64 if jax.config.jax_enable_x64 else jnp.int32)
    return {
        'means_3d': means_3d,
        'scales': scales,
        'quats': quats,
        'rgbs': rgbs,
        'opacities': opacities,
        'persistent_mask': persistent_mask,
        'indices': indices,
    }


def reference(means_3d, scales, quats, rgbs, opacities, persistent_mask, indices):
    # Faithful translation of GaussModel.maskout(indices):
    #   scatter-overwrite zeros into all five gaussian parameter tables
    #   and clear the persistent mask at those rows.
    means_3d = means_3d.at[indices].set(0.0)
    scales = scales.at[indices].set(0.0)
    quats = quats.at[indices].set(0.0)
    rgbs = rgbs.at[indices].set(0.0)
    opacities = opacities.at[indices].set(0.0)
    persistent_mask = persistent_mask.at[indices].set(False)
    return (means_3d, scales, quats, rgbs, opacities, persistent_mask)

if __name__ == "__main__":
    import jax
    _d = setup_inputs()
    print(jax.jit(kernel)(*tuple(_d.values())))

</pallas_src>

<mosaic_0001>
#map = affine_map<(d0, d1) -> (0, 0, 0)>
#map1 = affine_map<(d0, d1) -> (0)>
module attributes {stable_mosaic.version = 14 : i64} {
  func.func @hit_kernel(%arg0: i32, %arg1: i32, %arg2: memref<2x512x128xi32, #tpu.memory_space<hbm>>, %arg3: memref<4096xi32, #tpu.memory_space<hbm>>, %arg4: memref<1000000xi32, #tpu.memory_space<hbm>>, %arg5: memref<4096xi32, #tpu.memory_space<vmem>>, %arg6: memref<32x128xi32, #tpu.memory_space<vmem>>, %arg7: memref<128xi32, #tpu.memory_space<vmem>>, %arg8: memref<128xi32, #tpu.memory_space<vmem>>, %arg9: memref<31248xi32, #tpu.memory_space<vmem>>, %arg10: memref<500064xi32, #tpu.memory_space<vmem_shared>>, %arg11: memref<!tpu.dma_semaphore, #tpu.memory_space<semaphore_mem>>, %arg12: memref<!tpu.dma_semaphore, #tpu.memory_space<semaphore_mem>>) attributes {dimension_semantics = [#tpu.dimension_semantics<core_parallel>, #tpu.dimension_semantics<subcore_parallel>], iteration_bounds = array<i64: 2, 16>, scalar_prefetch = 0 : i64, scratch_operands = 8 : i64, tpu.core_type = #tpu.core_type<sc_vector_subcore>, window_params = [{transform_indices = #map}, {transform_indices = #map1}, {transform_indices = #map1}]} {
    %mul3A = arith.constant 31248 : i32
    %mul3A_0 = arith.muli %arg1, %mul3A : i32
    "tpu.region"() ({
      %run_scoped3A = tpu.sem_alloc : memref<!tpu.dma_semaphore, #tpu.memory_space<semaphore_mem>>
      tpu.enqueue_dma source(%arg3 : memref<4096xi32, #tpu.memory_space<hbm>>) target(%arg5 : memref<4096xi32, #tpu.memory_space<vmem>>) target_semaphore(%run_scoped3A : memref<!tpu.dma_semaphore, #tpu.memory_space<semaphore_mem>>)
      tpu.wait_dma2 semaphore(%run_scoped3A : memref<!tpu.dma_semaphore, #tpu.memory_space<semaphore_mem>>) src(%arg3 : memref<4096xi32, #tpu.memory_space<hbm>>) dst(%arg5 : memref<4096xi32, #tpu.memory_space<vmem>>)
      tpu.yield
    }) : () -> ()
    %add3A = arith.constant 0 : i32
    %add3A_1 = arith.addi %mul3A_0, %add3A : i32
    %dma_start3A = tpu.memref_slice %arg10[%add3A_1] : memref<500064xi32, #tpu.memory_space<vmem_shared>> -> memref<4096xi32, #tpu.memory_space<vmem_shared>>
    %dma_start3A_2 = tpu.memref_slice %arg10[%add3A_1] : memref<500064xi32, #tpu.memory_space<vmem_shared>> -> memref<4096xi32, #tpu.memory_space<vmem_shared>>
    tpu.enqueue_dma source(%arg5 : memref<4096xi32, #tpu.memory_space<vmem>>) target(%dma_start3A_2 : memref<4096xi32, #tpu.memory_space<vmem_shared>>) target_semaphore(%arg11 : memref<!tpu.dma_semaphore, #tpu.memory_space<semaphore_mem>>)
    %add3A_3 = arith.constant 4096 : i32
    %add3A_4 = arith.addi %mul3A_0, %add3A_3 : i32
    %dma_start3A_5 = tpu.memref_slice %arg10[%add3A_4] : memref<500064xi32, #tpu.memory_space<vmem_shared>> -> memref<4096xi32, #tpu.memory_space<vmem_shared>>
    %dma_start3A_6 = tpu.memref_slice %arg10[%add3A_4] : memref<500064xi32, #tpu.memory_space<vmem_shared>> -> memref<4096xi32, #tpu.memory_space<vmem_shared>>
    tpu.enqueue_dma source(%arg5 : memref<4096xi32, #tpu.memory_space<vmem>>) target(%dma_start3A_6 : memref<4096xi32, #tpu.memory_space<vmem_shared>>) target_semaphore(%arg11 : memref<!tpu.dma_semaphore, #tpu.memory_space<semaphore_mem>>)
    %add3A_7 = arith.constant 8192 : i32
    %add3A_8 = arith.addi %mul3A_0, %add3A_7 : i32
    %dma_start3A_9 = tpu.memref_slice %arg10[%add3A_8] : memref<500064xi32, #tpu.memory_space<vmem_shared>> -> memref<4096xi32, #tpu.memory_space<vmem_shared>>
    %dma_start3A_10 = tpu.memref_slice %arg10[%add3A_8] : memref<500064xi32, #tpu.memory_space<vmem_shared>> -> memref<4096xi32, #tpu.memory_space<vmem_shared>>
    tpu.enqueue_dma source(%arg5 : memref<4096xi32, #tpu.memory_space<vmem>>) target(%dma_start3A_10 : memref<4096xi32, #tpu.memory_space<vmem_shared>>) target_semaphore(%arg11 : memref<!tpu.dma_semaphore, #tpu.memory_space<semaphore_mem>>)
    %add3A_11 = arith.constant 12288 : i32
    %add3A_12 = arith.addi %mul3A_0, %add3A_11 : i32
    %dma_start3A_13 = tpu.memref_slice %arg10[%add3A_12] : memref<500064xi32, #tpu.memory_space<vmem_shared>> -> memref<4096xi32, #tpu.memory_space<vmem_shared>>
    %dma_start3A_14 = tpu.memref_slice %arg10[%add3A_12] : memref<500064xi32, #tpu.memory_space<vmem_shared>> -> memref<4096xi32, #tpu.memory_space<vmem_shared>>
    tpu.enqueue_dma source(%arg5 : memref<4096xi32, #tpu.memory_space<vmem>>) target(%dma_start3A_14 : memref<4096xi32, #tpu.memory_space<vmem_shared>>) target_semaphore(%arg11 : memref<!tpu.dma_semaphore, #tpu.memory_space<semaphore_mem>>)
    %add3A_15 = arith.constant 16384 : i32
    %add3A_16 = arith.addi %mul3A_0, %add3A_15 : i32
    %dma_start3A_17 = tpu.memref_slice %arg10[%add3A_16] : memref<500064xi32, #tpu.memory_space<vmem_shared>> -> memref<4096xi32, #tpu.memory_space<vmem_shared>>
    %dma_start3A_18 = tpu.memref_slice %arg10[%add3A_16] : memref<500064xi32, #tpu.memory_space<vmem_shared>> -> memref<4096xi32, #tpu.memory_space<vmem_shared>>
    tpu.enqueue_dma source(%arg5 : memref<4096xi32, #tpu.memory_space<vmem>>) target(%dma_start3A_18 : memref<4096xi32, #tpu.memory_space<vmem_shared>>) target_semaphore(%arg11 : memref<!tpu.dma_semaphore, #tpu.memory_space<semaphore_mem>>)
    %add3A_19 = arith.constant 20480 : i32
    %add3A_20 = arith.addi %mul3A_0, %add3A_19 : i32
    %dma_start3A_21 = tpu.memref_slice %arg10[%add3A_20] : memref<500064xi32, #tpu.memory_space<vmem_shared>> -> memref<4096xi32, #tpu.memory_space<vmem_shared>>
    %dma_start3A_22 = tpu.memref_slice %arg10[%add3A_20] : memref<500064xi32, #tpu.memory_space<vmem_shared>> -> memref<4096xi32, #tpu.memory_space<vmem_shared>>
    tpu.enqueue_dma source(%arg5 : memref<4096xi32, #tpu.memory_space<vmem>>) target(%dma_start3A_22 : memref<4096xi32, #tpu.memory_space<vmem_shared>>) target_semaphore(%arg11 : memref<!tpu.dma_semaphore, #tpu.memory_space<semaphore_mem>>)
    %add3A_23 = arith.constant 24576 : i32
    %add3A_24 = arith.addi %mul3A_0, %add3A_23 : i32
    %dma_start3A_25 = tpu.memref_slice %arg10[%add3A_24] : memref<500064xi32, #tpu.memory_space<vmem_shared>> -> memref<4096xi32, #tpu.memory_space<vmem_shared>>
    %dma_start3A_26 = tpu.memref_slice %arg10[%add3A_24] : memref<500064xi32, #tpu.memory_space<vmem_shared>> -> memref<4096xi32, #tpu.memory_space<vmem_shared>>
    tpu.enqueue_dma source(%arg5 : memref<4096xi32, #tpu.memory_space<vmem>>) target(%dma_start3A_26 : memref<4096xi32, #tpu.memory_space<vmem_shared>>) target_semaphore(%arg11 : memref<!tpu.dma_semaphore, #tpu.memory_space<semaphore_mem>>)
    %add3A_27 = arith.constant 28672 : i32
    %add3A_28 = arith.addi %mul3A_0, %add3A_27 : i32
    %dma_start3A_29 = arith.constant 0 : i32
    %dma_start3A_30 = tpu.memref_slice %arg5[%dma_start3A_29] : memref<4096xi32, #tpu.memory_space<vmem>> -> memref<2576xi32, #tpu.memory_space<vmem>>
    %dma_start3A_31 = tpu.memref_slice %arg10[%add3A_28] : memref<500064xi32, #tpu.memory_space<vmem_shared>> -> memref<2576xi32, #tpu.memory_space<vmem_shared>>
    %dma_start3A_32 = tpu.memref_slice %arg10[%add3A_28] : memref<500064xi32, #tpu.memory_space<vmem_shared>> -> memref<2576xi32, #tpu.memory_space<vmem_shared>>
    %dma_start3A_33 = arith.constant 0 : i32
    %dma_start3A_34 = tpu.memref_slice %arg5[%dma_start3A_33] : memref<4096xi32, #tpu.memory_space<vmem>> -> memref<2576xi32, #tpu.memory_space<vmem>>
    tpu.enqueue_dma source(%dma_start3A_34 : memref<2576xi32, #tpu.memory_space<vmem>>) target(%dma_start3A_32 : memref<2576xi32, #tpu.memory_space<vmem_shared>>) target_semaphore(%arg11 : memref<!tpu.dma_semaphore, #tpu.memory_space<semaphore_mem>>)
    %eq3A = arith.constant 15 : i32
    %eq3A_35 = arith.cmpi eq, %arg1, %eq3A : i32
    %convert_element_type3A = arith.extui %eq3A_35 : i1 to i32
    %cond3A = arith.constant 0 : i32
    %cond3A_36 = arith.cmpi ne, %convert_element_type3A, %cond3A : i32
    scf.if %cond3A_36 {
      %dma_start3A_549 = arith.constant 0 : i32
      %dma_start3A_550 = tpu.memref_slice %arg5[%dma_start3A_549] : memref<4096xi32, #tpu.memory_space<vmem>> -> memref<32xi32, #tpu.memory_space<vmem>>
      %dma_start3A_551 = arith.constant 499968 : i32
      %dma_start3A_552 = tpu.memref_slice %arg10[%dma_start3A_551] : memref<500064xi32, #tpu.memory_space<vmem_shared>> -> memref<32xi32, #tpu.memory_space<vmem_shared>>
      %dma_start3A_553 = arith.constant 499968 : i32
      %dma_start3A_554 = tpu.memref_slice %arg10[%dma_start3A_553] : memref<500064xi32, #tpu.memory_space<vmem_shared>> -> memref<32xi32, #tpu.memory_space<vmem_shared>>
      %dma_start3A_555 = arith.constant 0 : i32
      %dma_start3A_556 = tpu.memref_slice %arg5[%dma_start3A_555] : memref<4096xi32, #tpu.memory_space<vmem>> -> memref<32xi32, #tpu.memory_space<vmem>>
      tpu.enqueue_dma source(%dma_start3A_556 : memref<32xi32, #tpu.memory_space<vmem>>) target(%dma_start3A_554 : memref<32xi32, #tpu.memory_space<vmem_shared>>) target_semaphore(%arg11 : memref<!tpu.dma_semaphore, #tpu.memory_space<semaphore_mem>>)
      %dma_wait3A_557 = arith.constant 0 : i32
      %dma_wait3A_558 = tpu.memref_slice %arg5[%dma_wait3A_557] : memref<4096xi32, #tpu.memory_space<vmem>> -> memref<32xi32, #tpu.memory_space<vmem>>
      %dma_wait3A_559 = arith.constant 499968 : i32
      %dma_wait3A_560 = tpu.memref_slice %arg10[%dma_wait3A_559] : memref<500064xi32, #tpu.memory_space<vmem_shared>> -> memref<32xi32, #tpu.memory_space<vmem_shared>>
      %dma_wait3A_561 = arith.constant 499968 : i32
      %dma_wait3A_562 = tpu.memref_slice %arg10[%dma_wait3A_561] : memref<500064xi32, #tpu.memory_space<vmem_shared>> -> memref<32xi32, #tpu.memory_space<vmem_shared>>
      %dma_wait3A_563 = arith.constant 0 : i32
      %dma_wait3A_564 = tpu.memref_slice %arg5[%dma_wait3A_563] : memref<4096xi32, #tpu.memory_space<vmem>> -> memref<32xi32, #tpu.memory_space<vmem>>
      tpu.wait_dma2 semaphore(%arg11 : memref<!tpu.dma_semaphore, #tpu.memory_space<semaphore_mem>>) src(%dma_wait3A_564 : memref<32xi32, #tpu.memory_space<vmem>>) dst(%dma_wait3A_562 : memref<32xi32, #tpu.memory_space<vmem_shared>>)
    } else {
    }
    %mul3A_37 = arith.constant 32 : i32
    %mul3A_38 = arith.muli %arg1, %mul3A_37 : i32
    "tpu.region"() ({
      %run_scoped3A = tpu.sem_alloc : memref<!tpu.dma_semaphore, #tpu.memory_space<semaphore_mem>>
      %dma_start3A_549 = arith.constant 0 : i32
      %dma_start3A_550 = tpu.memref_slice %arg2[%arg0, %mul3A_38, %dma_start3A_549] : memref<2x512x128xi32, #tpu.memory_space<hbm>> -> memref<1x32x128xi32, #tpu.memory_space<hbm>>
      %dma_start3A_551 = tpu.memref_squeeze %dma_start3A_550 : memref<1x32x128xi32, #tpu.memory_space<hbm>> -> memref<32x128xi32, #tpu.memory_space<hbm>>
      %dma_start3A_552 = arith.constant 0 : i32
      %dma_start3A_553 = tpu.memref_slice %arg2[%arg0, %mul3A_38, %dma_start3A_552] : memref<2x512x128xi32, #tpu.memory_space<hbm>> -> memref<1x32x128xi32, #tpu.memory_space<hbm>>
      %dma_start3A_554 = tpu.memref_squeeze %dma_start3A_553 : memref<1x32x128xi32, #tpu.memory_space<hbm>> -> memref<32x128xi32, #tpu.memory_space<hbm>>
      tpu.enqueue_dma source(%dma_start3A_554 : memref<32x128xi32, #tpu.memory_space<hbm>>) target(%arg6 : memref<32x128xi32, #tpu.memory_space<vmem>>) target_semaphore(%run_scoped3A : memref<!tpu.dma_semaphore, #tpu.memory_space<semaphore_mem>>)
      %dma_wait3A_555 = arith.constant 0 : i32
      %dma_wait3A_556 = tpu.memref_slice %arg2[%arg0, %mul3A_38, %dma_wait3A_555] : memref<2x512x128xi32, #tpu.memory_space<hbm>> -> memref<1x32x128xi32, #tpu.memory_space<hbm>>
      %dma_wait3A_557 = tpu.memref_squeeze %dma_wait3A_556 : memref<1x32x128xi32, #tpu.memory_space<hbm>> -> memref<32x128xi32, #tpu.memory_space<hbm>>
      %dma_wait3A_558 = arith.constant 0 : i32
      %dma_wait3A_559 = tpu.memref_slice %arg2[%arg0, %mul3A_38, %dma_wait3A_558] : memref<2x512x128xi32, #tpu.memory_space<hbm>> -> memref<1x32x128xi32, #tpu.memory_space<hbm>>
      %dma_wait3A_560 = tpu.memref_squeeze %dma_wait3A_559 : memref<1x32x128xi32, #tpu.memory_space<hbm>> -> memref<32x128xi32, #tpu.memory_space<hbm>>
      tpu.wait_dma2 semaphore(%run_scoped3A : memref<!tpu.dma_semaphore, #tpu.memory_space<semaphore_mem>>) src(%dma_wait3A_560 : memref<32x128xi32, #tpu.memory_space<hbm>>) dst(%arg6 : memref<32x128xi32, #tpu.memory_space<vmem>>)
      tpu.yield
    }) : () -> ()
    %broadcast_in_dim3A = arith.constant 1 : i32
    %broadcast_in_dim3A_39 = vector.broadcast %broadcast_in_dim3A : i32 to vector<16xi32>
    %swap3A = arith.constant 0 : index
    %swap3A_40 = tpu.vector_load %arg7[%swap3A] {strides = array<i32>} : memref<128xi32, #tpu.memory_space<vmem>>, vector<16xi32>,
    %swap3A_41 = vector.shape_cast %swap3A_40 : vector<16xi32> to vector<16xi32>
    %swap3A_42 = vector.shape_cast %broadcast_in_dim3A_39 : vector<16xi32> to vector<16xi32>
    tpu.vector_store %arg7[%swap3A], %swap3A_42 {strides = array<i32>} : memref<128xi32, #tpu.memory_space<vmem>>, vector<16xi32>,
    %broadcast_in_dim3A_43 = arith.constant 500000 : i32
    %broadcast_in_dim3A_44 = vector.broadcast %broadcast_in_dim3A_43 : i32 to vector<16xi32>
    %swap3A_45 = arith.constant 0 : index
    %swap3A_46 = tpu.vector_load %arg8[%swap3A_45] {strides = array<i32>} : memref<128xi32, #tpu.memory_space<vmem>>, vector<16xi32>,
    %swap3A_47 = vector.shape_cast %swap3A_46 : vector<16xi32> to vector<16xi32>
    %swap3A_48 = vector.shape_cast %broadcast_in_dim3A_44 : vector<16xi32> to vector<16xi32>
    tpu.vector_store %arg8[%swap3A_45], %swap3A_48 {strides = array<i32>} : memref<128xi32, #tpu.memory_space<vmem>>, vector<16xi32>,
    %broadcast_in_dim3A_49 = arith.constant 1 : i32
    %broadcast_in_dim3A_50 = vector.broadcast %broadcast_in_dim3A_49 : i32 to vector<16xi32>
    %swap3A_51 = arith.constant 16 : index
    %swap3A_52 = tpu.vector_load %arg7[%swap3A_51] {strides = array<i32>} : memref<128xi32, #tpu.memory_space<vmem>>, vector<16xi32>,
    %swap3A_53 = vector.shape_cast %swap3A_52 : vector<16xi32> to vector<16xi32>
    %swap3A_54 = vector.shape_cast %broadcast_in_dim3A_50 : vector<16xi32> to vector<16xi32>
    tpu.vector_store %arg7[%swap3A_51], %swap3A_54 {strides = array<i32>} : memref<128xi32, #tpu.memory_space<vmem>>, vector<16xi32>,
    %broadcast_in_dim3A_55 = arith.constant 500000 : i32
    %broadcast_in_dim3A_56 = vector.broadcast %broadcast_in_dim3A_55 : i32 to vector<16xi32>
    %swap3A_57 = arith.constant 16 : index
    %swap3A_58 = tpu.vector_load %arg8[%swap3A_57] {strides = array<i32>} : memref<128xi32, #tpu.memory_space<vmem>>, vector<16xi32>,
    %swap3A_59 = vector.shape_cast %swap3A_58 : vector<16xi32> to vector<16xi32>
    %swap3A_60 = vector.shape_cast %broadcast_in_dim3A_56 : vector<16xi32> to vector<16xi32>
    tpu.vector_store %arg8[%swap3A_57], %swap3A_60 {strides = array<i32>} : memref<128xi32, #tpu.memory_space<vmem>>, vector<16xi32>,
    %broadcast_in_dim3A_61 = arith.constant 1 : i32
    %broadcast_in_dim3A_62 = vector.broadcast %broadcast_in_dim3A_61 : i32 to vector<16xi32>
    %swap3A_63 = arith.constant 32 : index
    %swap3A_64 = tpu.vector_load %arg7[%swap3A_63] {strides = array<i32>} : memref<128xi32, #tpu.memory_space<vmem>>, vector<16xi32>,
    %swap3A_65 = vector.shape_cast %swap3A_64 : vector<16xi32> to vector<16xi32>
    %swap3A_66 = vector.shape_cast %broadcast_in_dim3A_62 : vector<16xi32> to vector<16xi32>
    tpu.vector_store %arg7[%swap3A_63], %swap3A_66 {strides = array<i32>} : memref<128xi32, #tpu.memory_space<vmem>>, vector<16xi32>,
    %broadcast_in_dim3A_67 = arith.constant 500000 : i32
    %broadcast_in_dim3A_68 = vector.broadcast %broadcast_in_dim3A_67 : i32 to vector<16xi32>
    %swap3A_69 = arith.constant 32 : index
    %swap3A_70 = tpu.vector_load %arg8[%swap3A_69] {strides = array<i32>} : memref<128xi32, #tpu.memory_space<vmem>>, vector<16xi32>,
    %swap3A_71 = vector.shape_cast %swap3A_70 : vector<16xi32> to vector<16xi32>
    %swap3A_72 = vector.shape_cast %broadcast_in_dim3A_68 : vector<16xi32> to vector<16xi32>
    tpu.vector_store %arg8[%swap3A_69], %swap3A_72 {strides = array<i32>} : memref<128xi32, #tpu.memory_space<vmem>>, vector<16xi32>,
    %broadcast_in_dim3A_73 = arith.constant 1 : i32
    %broadcast_in_dim3A_74 = vector.broadcast %broadcast_in_dim3A_73 : i32 to vector<16xi32>
    %swap3A_75 = arith.constant 48 : index
    %swap3A_76 = tpu.vector_load %arg7[%swap3A_75] {strides = array<i32>} : memref<128xi32, #tpu.memory_space<vmem>>, vector<16xi32>,
    %swap3A_77 = vector.shape_cast %swap3A_76 : vector<16xi32> to vector<16xi32>
    %swap3A_78 = vector.shape_cast %broadcast_in_dim3A_74 : vector<16xi32> to vector<16xi32>
    tpu.vector_store %arg7[%swap3A_75], %swap3A_78 {strides = array<i32>} : memref<128xi32, #tpu.memory_space<vmem>>, vector<16xi32>,
    %broadcast_in_dim3A_79 = arith.constant 500000 : i32
    %broadcast_in_dim3A_80 = vector.broadcast %broadcast_in_dim3A_79 : i32 to vector<16xi32>
    %swap3A_81 = arith.constant 48 : index
    %swap3A_82 = tpu.vector_load %arg8[%swap3A_81] {strides = array<i32>} : memref<128xi32, #tpu.memory_space<vmem>>, vector<16xi32>,
    %swap3A_83 = vector.shape_cast %swap3A_82 : vector<16xi32> to vector<16xi32>
    %swap3A_84 = vector.shape_cast %broadcast_in_dim3A_80 : vector<16xi32> to vector<16xi32>
    tpu.vector_store %arg8[%swap3A_81], %swap3A_84 {strides = array<i32>} : memref<128xi32, #tpu.memory_space<vmem>>, vector<16xi32>,
    %broadcast_in_dim3A_85 = arith.constant 1 : i32
    %broadcast_in_dim3A_86 = vector.broadcast %broadcast_in_dim3A_85 : i32 to vector<16xi32>
    %swap3A_87 = arith.constant 64 : index
    %swap3A_88 = tpu.vector_load %arg7[%swap3A_87] {strides = array<i32>} : memref<128xi32, #tpu.memory_space<vmem>>, vector<16xi32>,
    %swap3A_89 = vector.shape_cast %swap3A_88 : vector<16xi32> to vector<16xi32>
    %swap3A_90 = vector.shape_cast %broadcast_in_dim3A_86 : vector<16xi32> to vector<16xi32>
    tpu.vector_store %arg7[%swap3A_87], %swap3A_90 {strides = array<i32>} : memref<128xi32, #tpu.memory_space<vmem>>, vector<16xi32>,
    %broadcast_in_dim3A_91 = arith.constant 500000 : i32
    %broadcast_in_dim3A_92 = vector.broadcast %broadcast_in_dim3A_91 : i32 to vector<16xi32>
    %swap3A_93 = arith.constant 64 : index
    %swap3A_94 = tpu.vector_load %arg8[%swap3A_93] {strides = array<i32>} : memref<128xi32, #tpu.memory_space<vmem>>, vector<16xi32>,
    %swap3A_95 = vector.shape_cast %swap3A_94 : vector<16xi32> to vector<16xi32>
    %swap3A_96 = vector.shape_cast %broadcast_in_dim3A_92 : vector<16xi32> to vector<16xi32>
    tpu.vector_store %arg8[%swap3A_93], %swap3A_96 {strides = array<i32>} : memref<128xi32, #tpu.memory_space<vmem>>, vector<16xi32>,
    %broadcast_in_dim3A_97 = arith.constant 1 : i32
    %broadcast_in_dim3A_98 = vector.broadcast %broadcast_in_dim3A_97 : i32 to vector<16xi32>
    %swap3A_99 = arith.constant 80 : index
    %swap3A_100 = tpu.vector_load %arg7[%swap3A_99] {strides = array<i32>} : memref<128xi32, #tpu.memory_space<vmem>>, vector<16xi32>,
    %swap3A_101 = vector.shape_cast %swap3A_100 : vector<16xi32> to vector<16xi32>
    %swap3A_102 = vector.shape_cast %broadcast_in_dim3A_98 : vector<16xi32> to vector<16xi32>
    tpu.vector_store %arg7[%swap3A_99], %swap3A_102 {strides = array<i32>} : memref<128xi32, #tpu.memory_space<vmem>>, vector<16xi32>,
    %broadcast_in_dim3A_103 = arith.constant 500000 : i32
    %broadcast_in_dim3A_104 = vector.broadcast %broadcast_in_dim3A_103 : i32 to vector<16xi32>
    %swap3A_105 = arith.constant 80 : index
    %swap3A_106 = tpu.vector_load %arg8[%swap3A_105] {strides = array<i32>} : memref<128xi32, #tpu.memory_space<vmem>>, vector<16xi32>,
    %swap3A_107 = vector.shape_cast %swap3A_106 : vector<16xi32> to vector<16xi32>
    %swap3A_108 = vector.shape_cast %broadcast_in_dim3A_104 : vector<16xi32> to vector<16xi32>
    tpu.vector_store %arg8[%swap3A_105], %swap3A_108 {strides = array<i32>} : memref<128xi32, #tpu.memory_space<vmem>>, vector<16xi32>,
    %broadcast_in_dim3A_109 = arith.constant 1 : i32
    %broadcast_in_dim3A_110 = vector.broadcast %broadcast_in_dim3A_109 : i32 to vector<16xi32>
    %swap3A_111 = arith.constant 96 : index
    %swap3A_112 = tpu.vector_load %arg7[%swap3A_111] {strides = array<i32>} : memref<128xi32, #tpu.memory_space<vmem>>, vector<16xi32>,
    %swap3A_113 = vector.shape_cast %swap3A_112 : vector<16xi32> to vector<16xi32>
    %swap3A_114 = vector.shape_cast %broadcast_in_dim3A_110 : vector<16xi32> to vector<16xi32>
    tpu.vector_store %arg7[%swap3A_111], %swap3A_114 {strides = array<i32>} : memref<128xi32, #tpu.memory_space<vmem>>, vector<16xi32>,
    %broadcast_in_dim3A_115 = arith.constant 500000 : i32
    %broadcast_in_dim3A_116 = vector.broadcast %broadcast_in_dim3A_115 : i32 to vector<16xi32>
    %swap3A_117 = arith.constant 96 : index
    %swap3A_118 = tpu.vector_load %arg8[%swap3A_117] {strides = array<i32>} : memref<128xi32, #tpu.memory_space<vmem>>, vector<16xi32>,
    %swap3A_119 = vector.shape_cast %swap3A_118 : vector<16xi32> to vector<16xi32>
    %swap3A_120 = vector.shape_cast %broadcast_in_dim3A_116 : vector<16xi32> to vector<16xi32>
    tpu.vector_store %arg8[%swap3A_117], %swap3A_120 {strides = array<i32>} : memref<128xi32, #tpu.memory_space<vmem>>, vector<16xi32>,
    %broadcast_in_dim3A_121 = arith.constant 1 : i32
    %broadcast_in_dim3A_122 = vector.broadcast %broadcast_in_dim3A_121 : i32 to vector<16xi32>
    %swap3A_123 = arith.constant 112 : index
    %swap3A_124 = tpu.vector_load %arg7[%swap3A_123] {strides = array<i32>} : memref<128xi32, #tpu.memory_space<vmem>>, vector<16xi32>,
    %swap3A_125 = vector.shape_cast %swap3A_124 : vector<16xi32> to vector<16xi32>
    %swap3A_126 = vector.shape_cast %broadcast_in_dim3A_122 : vector<16xi32> to vector<16xi32>
    tpu.vector_store %arg7[%swap3A_123], %swap3A_126 {strides = array<i32>} : memref<128xi32, #tpu.memory_space<vmem>>, vector<16xi32>,
    %broadcast_in_dim3A_127 = arith.constant 500000 : i32
    %broadcast_in_dim3A_128 = vector.broadcast %broadcast_in_dim3A_127 : i32 to vector<16xi32>
    %swap3A_129 = arith.constant 112 : index
    %swap3A_130 = tpu.vector_load %arg8[%swap3A_129] {strides = array<i32>} : memref<128xi32, #tpu.memory_space<vmem>>, vector<16xi32>,
    %swap3A_131 = vector.shape_cast %swap3A_130 : vector<16xi32> to vector<16xi32>
    %swap3A_132 = vector.shape_cast %broadcast_in_dim3A_128 : vector<16xi32> to vector<16xi32>
    tpu.vector_store %arg8[%swap3A_129], %swap3A_132 {strides = array<i32>} : memref<128xi32, #tpu.memory_space<vmem>>, vector<16xi32>,
    %dma_wait3A = tpu.memref_slice %arg10[%add3A_1] : memref<500064xi32, #tpu.memory_space<vmem_shared>> -> memref<4096xi32, #tpu.memory_space<vmem_shared>>
    %dma_wait3A_133 = tpu.memref_slice %arg10[%add3A_1] : memref<500064xi32, #tpu.memory_space<vmem_shared>> -> memref<4096xi32, #tpu.memory_space<vmem_shared>>
    tpu.wait_dma2 semaphore(%arg11 : memref<!tpu.dma_semaphore, #tpu.memory_space<semaphore_mem>>) src(%arg5 : memref<4096xi32, #tpu.memory_space<vmem>>) dst(%dma_wait3A_133 : memref<4096xi32, #tpu.memory_space<vmem_shared>>)
    %dma_wait3A_134 = tpu.memref_slice %arg10[%add3A_4] : memref<500064xi32, #tpu.memory_space<vmem_shared>> -> memref<4096xi32, #tpu.memory_space<vmem_shared>>
    %dma_wait3A_135 = tpu.memref_slice %arg10[%add3A_4] : memref<500064xi32, #tpu.memory_space<vmem_shared>> -> memref<4096xi32, #tpu.memory_space<vmem_shared>>
    tpu.wait_dma2 semaphore(%arg11 : memref<!tpu.dma_semaphore, #tpu.memory_space<semaphore_mem>>) src(%arg5 : memref<4096xi32, #tpu.memory_space<vmem>>) dst(%dma_wait3A_135 : memref<4096xi32, #tpu.memory_space<vmem_shared>>)
    %dma_wait3A_136 = tpu.memref_slice %arg10[%add3A_8] : memref<500064xi32, #tpu.memory_space<vmem_shared>> -> memref<4096xi32, #tpu.memory_space<vmem_shared>>
    %dma_wait3A_137 = tpu.memref_slice %arg10[%add3A_8] : memref<500064xi32, #tpu.memory_space<vmem_shared>> -> memref<4096xi32, #tpu.memory_space<vmem_shared>>
    tpu.wait_dma2 semaphore(%arg11 : memref<!tpu.dma_semaphore, #tpu.memory_space<semaphore_mem>>) src(%arg5 : memref<4096xi32, #tpu.memory_space<vmem>>) dst(%dma_wait3A_137 : memref<4096xi32, #tpu.memory_space<vmem_shared>>)
    %dma_wait3A_138 = tpu.memref_slice %arg10[%add3A_12] : memref<500064xi32, #tpu.memory_space<vmem_shared>> -> memref<4096xi32, #tpu.memory_space<vmem_shared>>
    %dma_wait3A_139 = tpu.memref_slice %arg10[%add3A_12] : memref<500064xi32, #tpu.memory_space<vmem_shared>> -> memref<4096xi32, #tpu.memory_space<vmem_shared>>
    tpu.wait_dma2 semaphore(%arg11 : memref<!tpu.dma_semaphore, #tpu.memory_space<semaphore_mem>>) src(%arg5 : memref<4096xi32, #tpu.memory_space<vmem>>) dst(%dma_wait3A_139 : memref<4096xi32, #tpu.memory_space<vmem_shared>>)
    %dma_wait3A_140 = tpu.memref_slice %arg10[%add3A_16] : memref<500064xi32, #tpu.memory_space<vmem_shared>> -> memref<4096xi32, #tpu.memory_space<vmem_shared>>
    %dma_wait3A_141 = tpu.memref_slice %arg10[%add3A_16] : memref<500064xi32, #tpu.memory_space<vmem_shared>> -> memref<4096xi32, #tpu.memory_space<vmem_shared>>
    tpu.wait_dma2 semaphore(%arg11 : memref<!tpu.dma_semaphore, #tpu.memory_space<semaphore_mem>>) src(%arg5 : memref<4096xi32, #tpu.memory_space<vmem>>) dst(%dma_wait3A_141 : memref<4096xi32, #tpu.memory_space<vmem_shared>>)
    %dma_wait3A_142 = tpu.memref_slice %arg10[%add3A_20] : memref<500064xi32, #tpu.memory_space<vmem_shared>> -> memref<4096xi32, #tpu.memory_space<vmem_shared>>
    %dma_wait3A_143 = tpu.memref_slice %arg10[%add3A_20] : memref<500064xi32, #tpu.memory_space<vmem_shared>> -> memref<4096xi32, #tpu.memory_space<vmem_shared>>
    tpu.wait_dma2 semaphore(%arg11 : memref<!tpu.dma_semaphore, #tpu.memory_space<semaphore_mem>>) src(%arg5 : memref<4096xi32, #tpu.memory_space<vmem>>) dst(%dma_wait3A_143 : memref<4096xi32, #tpu.memory_space<vmem_shared>>)
    %dma_wait3A_144 = tpu.memref_slice %arg10[%add3A_24] : memref<500064xi32, #tpu.memory_space<vmem_shared>> -> memref<4096xi32, #tpu.memory_space<vmem_shared>>
    %dma_wait3A_145 = tpu.memref_slice %arg10[%add3A_24] : memref<500064xi32, #tpu.memory_space<vmem_shared>> -> memref<4096xi32, #tpu.memory_space<vmem_shared>>
    tpu.wait_dma2 semaphore(%arg11 : memref<!tpu.dma_semaphore, #tpu.memory_space<semaphore_mem>>) src(%arg5 : memref<4096xi32, #tpu.memory_space<vmem>>) dst(%dma_wait3A_145 : memref<4096xi32, #tpu.memory_space<vmem_shared>>)
    %dma_wait3A_146 = arith.constant 0 : i32
    %dma_wait3A_147 = tpu.memref_slice %arg5[%dma_wait3A_146] : memref<4096xi32, #tpu.memory_space<vmem>> -> memref<2576xi32, #tpu.memory_space<vmem>>
    %dma_wait3A_148 = tpu.memref_slice %arg10[%add3A_28] : memref<500064xi32, #tpu.memory_space<vmem_shared>> -> memref<2576xi32, #tpu.memory_space<vmem_shared>>
    %dma_wait3A_149 = tpu.memref_slice %arg10[%add3A_28] : memref<500064xi32, #tpu.memory_space<vmem_shared>> -> memref<2576xi32, #tpu.memory_space<vmem_shared>>
    %dma_wait3A_150 = arith.constant 0 : i32
    %dma_wait3A_151 = tpu.memref_slice %arg5[%dma_wait3A_150] : memref<4096xi32, #tpu.memory_space<vmem>> -> memref<2576xi32, #tpu.memory_space<vmem>>
    tpu.wait_dma2 semaphore(%arg11 : memref<!tpu.dma_semaphore, #tpu.memory_space<semaphore_mem>>) src(%dma_wait3A_151 : memref<2576xi32, #tpu.memory_space<vmem>>) dst(%dma_wait3A_149 : memref<2576xi32, #tpu.memory_space<vmem_shared>>)
    %barrier3A = arith.constant 0 : index
    tpu.barrier barrier_id(%barrier3A)
    %dma_start3A_152 = arith.constant 0 : i32
    %dma_start3A_153 = arith.constant 0 : i32
    %dma_start3A_154 = tpu.memref_slice %arg6[%dma_start3A_152, %dma_start3A_153] : memref<32x128xi32, #tpu.memory_space<vmem>> -> memref<1x128xi32, #tpu.memory_space<vmem>>
    %dma_start3A_155 = tpu.memref_squeeze %dma_start3A_154 : memref<1x128xi32, #tpu.memory_space<vmem>> -> memref<128xi32, #tpu.memory_space<vmem>>
    %dma_start3A_156 = arith.constant 0 : i32
    %dma_start3A_157 = tpu.memref_slice %arg10[%dma_start3A_156] : memref<500064xi32, #tpu.memory_space<vmem_shared>> -> memref<500064xi32, #tpu.memory_space<vmem_shared>>
    tpu.enqueue_indirect_dma source(%arg7 : memref<128xi32, #tpu.memory_space<vmem>>) target(%dma_start3A_157 : memref<500064xi32, #tpu.memory_space<vmem_shared>>) offsets(%dma_start3A_155 : memref<128xi32, #tpu.memory_space<vmem>>) semaphore(%arg12 : memref<!tpu.dma_semaphore, #tpu.memory_space<semaphore_mem>>) {add = true}
    %dma_start3A_158 = arith.constant 1 : i32
    %dma_start3A_159 = arith.constant 0 : i32
    %dma_start3A_160 = tpu.memref_slice %arg6[%dma_start3A_158, %dma_start3A_159] : memref<32x128xi32, #tpu.memory_space<vmem>> -> memref<1x128xi32, #tpu.memory_space<vmem>>
    %dma_start3A_161 = tpu.memref_squeeze %dma_start3A_160 : memref<1x128xi32, #tpu.memory_space<vmem>> -> memref<128xi32, #tpu.memory_space<vmem>>
    %dma_start3A_162 = arith.constant 0 : i32
    %dma_start3A_163 = tpu.memref_slice %arg10[%dma_start3A_162] : memref<500064xi32, #tpu.memory_space<vmem_shared>> -> memref<500064xi32, #tpu.memory_space<vmem_shared>>
    tpu.enqueue_indirect_dma source(%arg7 : memref<128xi32, #tpu.memory_space<vmem>>) target(%dma_start3A_163 : memref<500064xi32, #tpu.memory_space<vmem_shared>>) offsets(%dma_start3A_161 : memref<128xi32, #tpu.memory_space<vmem>>) semaphore(%arg12 : memref<!tpu.dma_semaphore, #tpu.memory_space<semaphore_mem>>) {add = true}
    %dma_start3A_164 = arith.constant 2 : i32
    %dma_start3A_165 = arith.constant 0 : i32
    %dma_start3A_166 = tpu.memref_slice %arg6[%dma_start3A_164, %dma_start3A_165] : memref<32x128xi32, #tpu.memory_space<vmem>> -> memref<1x128xi32, #tpu.memory_space<vmem>>
    %dma_start3A_167 = tpu.memref_squeeze %dma_start3A_166 : memref<1x128xi32, #tpu.memory_space<vmem>> -> memref<128xi32, #tpu.memory_space<vmem>>
    %dma_start3A_168 = arith.constant 0 : i32
    %dma_start3A_169 = tpu.memref_slice %arg10[%dma_start3A_168] : memref<500064xi32, #tpu.memory_space<vmem_shared>> -> memref<500064xi32, #tpu.memory_space<vmem_shared>>
    tpu.enqueue_indirect_dma source(%arg7 : memref<128xi32, #tpu.memory_space<vmem>>) target(%dma_start3A_169 : memref<500064xi32, #tpu.memory_space<vmem_shared>>) offsets(%dma_start3A_167 : memref<128xi32, #tpu.memory_space<vmem>>) semaphore(%arg12 : memref<!tpu.dma_semaphore, #tpu.memory_space<semaphore_mem>>) {add = true}
    %dma_start3A_170 = arith.constant 3 : i32
    %dma_start3A_171 = arith.constant 0 : i32
    %dma_start3A_172 = tpu.memref_slice %arg6[%dma_start3A_170, %dma_start3A_171] : memref<32x128xi32, #tpu.memory_space<vmem>> -> memref<1x128xi32, #tpu.memory_space<vmem>>
    %dma_start3A_173 = tpu.memref_squeeze %dma_start3A_172 : memref<1x128xi32, #tpu.memory_space<vmem>> -> memref<128xi32, #tpu.memory_space<vmem>>
    %dma_start3A_174 = arith.constant 0 : i32
    %dma_start3A_175 = tpu.memref_slice %arg10[%dma_start3A_174] : memref<500064xi32, #tpu.memory_space<vmem_shared>> -> memref<500064xi32, #tpu.memory_space<vmem_shared>>
    tpu.enqueue_indirect_dma source(%arg7 : memref<128xi32, #tpu.memory_space<vmem>>) target(%dma_start3A_175 : memref<500064xi32, #tpu.memory_space<vmem_shared>>) offsets(%dma_start3A_173 : memref<128xi32, #tpu.memory_space<vmem>>) semaphore(%arg12 : memref<!tpu.dma_semaphore, #tpu.memory_space<semaphore_mem>>) {add = true}
    %dma_start3A_176 = arith.constant 4 : i32
    %dma_start3A_177 = arith.constant 0 : i32
    %dma_start3A_178 = tpu.memref_slice %arg6[%dma_start3A_176, %dma_start3A_177] : memref<32x128xi32, #tpu.memory_space<vmem>> -> memref<1x128xi32, #tpu.memory_space<vmem>>
    %dma_start3A_179 = tpu.memref_squeeze %dma_start3A_178 : memref<1x128xi32, #tpu.memory_space<vmem>> -> memref<128xi32, #tpu.memory_space<vmem>>
    %dma_start3A_180 = arith.constant 0 : i32
    %dma_start3A_181 = tpu.memref_slice %arg10[%dma_start3A_180] : memref<500064xi32, #tpu.memory_space<vmem_shared>> -> memref<500064xi32, #tpu.memory_space<vmem_shared>>
    tpu.enqueue_indirect_dma source(%arg7 : memref<128xi32, #tpu.memory_space<vmem>>) target(%dma_start3A_181 : memref<500064xi32, #tpu.memory_space<vmem_shared>>) offsets(%dma_start3A_179 : memref<128xi32, #tpu.memory_space<vmem>>) semaphore(%arg12 : memref<!tpu.dma_semaphore, #tpu.memory_space<semaphore_mem>>) {add = true}
    %dma_start3A_182 = arith.constant 5 : i32
    %dma_start3A_183 = arith.constant 0 : i32
    %dma_start3A_184 = tpu.memref_slice %arg6[%dma_start3A_182, %dma_start3A_183] : memref<32x128xi32, #tpu.memory_space<vmem>> -> memref<1x128xi32, #tpu.memory_space<vmem>>
    %dma_start3A_185 = tpu.memref_squeeze %dma_start3A_184 : memref<1x128xi32, #tpu.memory_space<vmem>> -> memref<128xi32, #tpu.memory_space<vmem>>
    %dma_start3A_186 = arith.constant 0 : i32
    %dma_start3A_187 = tpu.memref_slice %arg10[%dma_start3A_186] : memref<500064xi32, #tpu.memory_space<vmem_shared>> -> memref<500064xi32, #tpu.memory_space<vmem_shared>>
    tpu.enqueue_indirect_dma source(%arg7 : memref<128xi32, #tpu.memory_space<vmem>>) target(%dma_start3A_187 : memref<500064xi32, #tpu.memory_space<vmem_shared>>) offsets(%dma_start3A_185 : memref<128xi32, #tpu.memory_space<vmem>>) semaphore(%arg12 : memref<!tpu.dma_semaphore, #tpu.memory_space<semaphore_mem>>) {add = true}
    %dma_start3A_188 = arith.constant 6 : i32
    %dma_start3A_189 = arith.constant 0 : i32
    %dma_start3A_190 = tpu.memref_slice %arg6[%dma_start3A_188, %dma_start3A_189] : memref<32x128xi32, #tpu.memory_space<vmem>> -> memref<1x128xi32, #tpu.memory_space<vmem>>
    %dma_start3A_191 = tpu.memref_squeeze %dma_start3A_190 : memref<1x128xi32, #tpu.memory_space<vmem>> -> memref<128xi32, #tpu.memory_space<vmem>>
    %dma_start3A_192 = arith.constant 0 : i32
    %dma_start3A_193 = tpu.memref_slice %arg10[%dma_start3A_192] : memref<500064xi32, #tpu.memory_space<vmem_shared>> -> memref<500064xi32, #tpu.memory_space<vmem_shared>>
    tpu.enqueue_indirect_dma source(%arg7 : memref<128xi32, #tpu.memory_space<vmem>>) target(%dma_start3A_193 : memref<500064xi32, #tpu.memory_space<vmem_shared>>) offsets(%dma_start3A_191 : memref<128xi32, #tpu.memory_space<vmem>>) semaphore(%arg12 : memref<!tpu.dma_semaphore, #tpu.memory_space<semaphore_mem>>) {add = true}
    %dma_start3A_194 = arith.constant 7 : i32
    %dma_start3A_195 = arith.constant 0 : i32
    %dma_start3A_196 = tpu.memref_slice %arg6[%dma_start3A_194, %dma_start3A_195] : memref<32x128xi32, #tpu.memory_space<vmem>> -> memref<1x128xi32, #tpu.memory_space<vmem>>
    %dma_start3A_197 = tpu.memref_squeeze %dma_start3A_196 : memref<1x128xi32, #tpu.memory_space<vmem>> -> memref<128xi32, #tpu.memory_space<vmem>>
    %dma_start3A_198 = arith.constant 0 : i32
    %dma_start3A_199 = tpu.memref_slice %arg10[%dma_start3A_198] : memref<500064xi32, #tpu.memory_space<vmem_shared>> -> memref<500064xi32, #tpu.memory_space<vmem_shared>>
    tpu.enqueue_indirect_dma source(%arg7 : memref<128xi32, #tpu.memory_space<vmem>>) target(%dma_start3A_199 : memref<500064xi32, #tpu.memory_space<vmem_shared>>) offsets(%dma_start3A_197 : memref<128xi32, #tpu.memory_space<vmem>>) semaphore(%arg12 : memref<!tpu.dma_semaphore, #tpu.memory_space<semaphore_mem>>) {add = true}
    %dma_start3A_200 = arith.constant 8 : i32
    %dma_start3A_201 = arith.constant 0 : i32
    %dma_start3A_202 = tpu.memref_slice %arg6[%dma_start3A_200, %dma_start3A_201] : memref<32x128xi32, #tpu.memory_space<vmem>> -> memref<1x128xi32, #tpu.memory_space<vmem>>
    %dma_start3A_203 = tpu.memref_squeeze %dma_start3A_202 : memref<1x128xi32, #tpu.memory_space<vmem>> -> memref<128xi32, #tpu.memory_space<vmem>>
    %dma_start3A_204 = arith.constant 0 : i32
    %dma_start3A_205 = tpu.memref_slice %arg10[%dma_start3A_204] : memref<500064xi32, #tpu.memory_space<vmem_shared>> -> memref<500064xi32, #tpu.memory_space<vmem_shared>>
    tpu.enqueue_indirect_dma source(%arg7 : memref<128xi32, #tpu.memory_space<vmem>>) target(%dma_start3A_205 : memref<500064xi32, #tpu.memory_space<vmem_shared>>) offsets(%dma_start3A_203 : memref<128xi32, #tpu.memory_space<vmem>>) semaphore(%arg12 : memref<!tpu.dma_semaphore, #tpu.memory_space<semaphore_mem>>) {add = true}
    %dma_start3A_206 = arith.constant 9 : i32
    %dma_start3A_207 = arith.constant 0 : i32
    %dma_start3A_208 = tpu.memref_slice %arg6[%dma_start3A_206, %dma_start3A_207] : memref<32x128xi32, #tpu.memory_space<vmem>> -> memref<1x128xi32, #tpu.memory_space<vmem>>
    %dma_start3A_209 = tpu.memref_squeeze %dma_start3A_208 : memref<1x128xi32, #tpu.memory_space<vmem>> -> memref<128xi32, #tpu.memory_space<vmem>>
    %dma_start3A_210 = arith.constant 0 : i32
    %dma_start3A_211 = tpu.memref_slice %arg10[%dma_start3A_210] : memref<500064xi32, #tpu.memory_space<vmem_shared>> -> memref<500064xi32, #tpu.memory_space<vmem_shared>>
    tpu.enqueue_indirect_dma source(%arg7 : memref<128xi32, #tpu.memory_space<vmem>>) target(%dma_start3A_211 : memref<500064xi32, #tpu.memory_space<vmem_shared>>) offsets(%dma_start3A_209 : memref<128xi32, #tpu.memory_space<vmem>>) semaphore(%arg12 : memref<!tpu.dma_semaphore, #tpu.memory_space<semaphore_mem>>) {add = true}
    %dma_start3A_212 = arith.constant 10 : i32
    %dma_start3A_213 = arith.constant 0 : i32
    %dma_start3A_214 = tpu.memref_slice %arg6[%dma_start3A_212, %dma_start3A_213] : memref<32x128xi32, #tpu.memory_space<vmem>> -> memref<1x128xi32, #tpu.memory_space<vmem>>
    %dma_start3A_215 = tpu.memref_squeeze %dma_start3A_214 : memref<1x128xi32, #tpu.memory_space<vmem>> -> memref<128xi32, #tpu.memory_space<vmem>>
    %dma_start3A_216 = arith.constant 0 : i32
    %dma_start3A_217 = tpu.memref_slice %arg10[%dma_start3A_216] : memref<500064xi32, #tpu.memory_space<vmem_shared>> -> memref<500064xi32, #tpu.memory_space<vmem_shared>>
    tpu.enqueue_indirect_dma source(%arg7 : memref<128xi32, #tpu.memory_space<vmem>>) target(%dma_start3A_217 : memref<500064xi32, #tpu.memory_space<vmem_shared>>) offsets(%dma_start3A_215 : memref<128xi32, #tpu.memory_space<vmem>>) semaphore(%arg12 : memref<!tpu.dma_semaphore, #tpu.memory_space<semaphore_mem>>) {add = true}
    %dma_start3A_218 = arith.constant 11 : i32
    %dma_start3A_219 = arith.constant 0 : i32
    %dma_start3A_220 = tpu.memref_slice %arg6[%dma_start3A_218, %dma_start3A_219] : memref<32x128xi32, #tpu.memory_space<vmem>> -> memref<1x128xi32, #tpu.memory_space<vmem>>
    %dma_start3A_221 = tpu.memref_squeeze %dma_start3A_220 : memref<1x128xi32, #tpu.memory_space<vmem>> -> memref<128xi32, #tpu.memory_space<vmem>>
    %dma_start3A_222 = arith.constant 0 : i32
    %dma_start3A_223 = tpu.memref_slice %arg10[%dma_start3A_222] : memref<500064xi32, #tpu.memory_space<vmem_shared>> -> memref<500064xi32, #tpu.memory_space<vmem_shared>>
    tpu.enqueue_indirect_dma source(%arg7 : memref<128xi32, #tpu.memory_space<vmem>>) target(%dma_start3A_223 : memref<500064xi32, #tpu.memory_space<vmem_shared>>) offsets(%dma_start3A_221 : memref<128xi32, #tpu.memory_space<vmem>>) semaphore(%arg12 : memref<!tpu.dma_semaphore, #tpu.memory_space<semaphore_mem>>) {add = true}
    %dma_start3A_224 = arith.constant 12 : i32
    %dma_start3A_225 = arith.constant 0 : i32
    %dma_start3A_226 = tpu.memref_slice %arg6[%dma_start3A_224, %dma_start3A_225] : memref<32x128xi32, #tpu.memory_space<vmem>> -> memref<1x128xi32, #tpu.memory_space<vmem>>
    %dma_start3A_227 = tpu.memref_squeeze %dma_start3A_226 : memref<1x128xi32, #tpu.memory_space<vmem>> -> memref<128xi32, #tpu.memory_space<vmem>>
    %dma_start3A_228 = arith.constant 0 : i32
    %dma_start3A_229 = tpu.memref_slice %arg10[%dma_start3A_228] : memref<500064xi32, #tpu.memory_space<vmem_shared>> -> memref<500064xi32, #tpu.memory_space<vmem_shared>>
    tpu.enqueue_indirect_dma source(%arg7 : memref<128xi32, #tpu.memory_space<vmem>>) target(%dma_start3A_229 : memref<500064xi32, #tpu.memory_space<vmem_shared>>) offsets(%dma_start3A_227 : memref<128xi32, #tpu.memory_space<vmem>>) semaphore(%arg12 : memref<!tpu.dma_semaphore, #tpu.memory_space<semaphore_mem>>) {add = true}
    %dma_start3A_230 = arith.constant 13 : i32
    %dma_start3A_231 = arith.constant 0 : i32
    %dma_start3A_232 = tpu.memref_slice %arg6[%dma_start3A_230, %dma_start3A_231] : memref<32x128xi32, #tpu.memory_space<vmem>> -> memref<1x128xi32, #tpu.memory_space<vmem>>
    %dma_start3A_233 = tpu.memref_squeeze %dma_start3A_232 : memref<1x128xi32, #tpu.memory_space<vmem>> -> memref<128xi32, #tpu.memory_space<vmem>>
    %dma_start3A_234 = arith.constant 0 : i32
    %dma_start3A_235 = tpu.memref_slice %arg10[%dma_start3A_234] : memref<500064xi32, #tpu.memory_space<vmem_shared>> -> memref<500064xi32, #tpu.memory_space<vmem_shared>>
    tpu.enqueue_indirect_dma source(%arg7 : memref<128xi32, #tpu.memory_space<vmem>>) target(%dma_start3A_235 : memref<500064xi32, #tpu.memory_space<vmem_shared>>) offsets(%dma_start3A_233 : memref<128xi32, #tpu.memory_space<vmem>>) semaphore(%arg12 : memref<!tpu.dma_semaphore, #tpu.memory_space<semaphore_mem>>) {add = true}
    %dma_start3A_236 = arith.constant 14 : i32
    %dma_start3A_237 = arith.constant 0 : i32
    %dma_start3A_238 = tpu.memref_slice %arg6[%dma_start3A_236, %dma_start3A_237] : memref<32x128xi32, #tpu.memory_space<vmem>> -> memref<1x128xi32, #tpu.memory_space<vmem>>
    %dma_start3A_239 = tpu.memref_squeeze %dma_start3A_238 : memref<1x128xi32, #tpu.memory_space<vmem>> -> memref<128xi32, #tpu.memory_space<vmem>>
    %dma_start3A_240 = arith.constant 0 : i32
    %dma_start3A_241 = tpu.memref_slice %arg10[%dma_start3A_240] : memref<500064xi32, #tpu.memory_space<vmem_shared>> -> memref<500064xi32, #tpu.memory_space<vmem_shared>>
    tpu.enqueue_indirect_dma source(%arg7 : memref<128xi32, #tpu.memory_space<vmem>>) target(%dma_start3A_241 : memref<500064xi32, #tpu.memory_space<vmem_shared>>) offsets(%dma_start3A_239 : memref<128xi32, #tpu.memory_space<vmem>>) semaphore(%arg12 : memref<!tpu.dma_semaphore, #tpu.memory_space<semaphore_mem>>) {add = true}
    %dma_start3A_242 = arith.constant 15 : i32
    %dma_start3A_243 = arith.constant 0 : i32
    %dma_start3A_244 = tpu.memref_slice %arg6[%dma_start3A_242, %dma_start3A_243] : memref<32x128xi32, #tpu.memory_space<vmem>> -> memref<1x128xi32, #tpu.memory_space<vmem>>
    %dma_start3A_245 = tpu.memref_squeeze %dma_start3A_244 : memref<1x128xi32, #tpu.memory_space<vmem>> -> memref<128xi32, #tpu.memory_space<vmem>>
    %dma_start3A_246 = arith.constant 0 : i32
    %dma_start3A_247 = tpu.memref_slice %arg10[%dma_start3A_246] : memref<500064xi32, #tpu.memory_space<vmem_shared>> -> memref<500064xi32, #tpu.memory_space<vmem_shared>>
    tpu.enqueue_indirect_dma source(%arg7 : memref<128xi32, #tpu.memory_space<vmem>>) target(%dma_start3A_247 : memref<500064xi32, #tpu.memory_space<vmem_shared>>) offsets(%dma_start3A_245 : memref<128xi32, #tpu.memory_space<vmem>>) semaphore(%arg12 : memref<!tpu.dma_semaphore, #tpu.memory_space<semaphore_mem>>) {add = true}
    %dma_start3A_248 = arith.constant 16 : i32
    %dma_start3A_249 = arith.constant 0 : i32
    %dma_start3A_250 = tpu.memref_slice %arg6[%dma_start3A_248, %dma_start3A_249] : memref<32x128xi32, #tpu.memory_space<vmem>> -> memref<1x128xi32, #tpu.memory_space<vmem>>
    %dma_start3A_251 = tpu.memref_squeeze %dma_start3A_250 : memref<1x128xi32, #tpu.memory_space<vmem>> -> memref<128xi32, #tpu.memory_space<vmem>>
    %dma_start3A_252 = arith.constant 0 : i32
    %dma_start3A_253 = tpu.memref_slice %arg10[%dma_start3A_252] : memref<500064xi32, #tpu.memory_space<vmem_shared>> -> memref<500064xi32, #tpu.memory_space<vmem_shared>>
    tpu.enqueue_indirect_dma source(%arg7 : memref<128xi32, #tpu.memory_space<vmem>>) target(%dma_start3A_253 : memref<500064xi32, #tpu.memory_space<vmem_shared>>) offsets(%dma_start3A_251 : memref<128xi32, #tpu.memory_space<vmem>>) semaphore(%arg12 : memref<!tpu.dma_semaphore, #tpu.memory_space<semaphore_mem>>) {add = true}
    %dma_start3A_254 = arith.constant 17 : i32
    %dma_start3A_255 = arith.constant 0 : i32
    %dma_start3A_256 = tpu.memref_slice %arg6[%dma_start3A_254, %dma_start3A_255] : memref<32x128xi32, #tpu.memory_space<vmem>> -> memref<1x128xi32, #tpu.memory_space<vmem>>
    %dma_start3A_257 = tpu.memref_squeeze %dma_start3A_256 : memref<1x128xi32, #tpu.memory_space<vmem>> -> memref<128xi32, #tpu.memory_space<vmem>>
    %dma_start3A_258 = arith.constant 0 : i32
    %dma_start3A_259 = tpu.memref_slice %arg10[%dma_start3A_258] : memref<500064xi32, #tpu.memory_space<vmem_shared>> -> memref<500064xi32, #tpu.memory_space<vmem_shared>>
    tpu.enqueue_indirect_dma source(%arg7 : memref<128xi32, #tpu.memory_space<vmem>>) target(%dma_start3A_259 : memref<500064xi32, #tpu.memory_space<vmem_shared>>) offsets(%dma_start3A_257 : memref<128xi32, #tpu.memory_space<vmem>>) semaphore(%arg12 : memref<!tpu.dma_semaphore, #tpu.memory_space<semaphore_mem>>) {add = true}
    %dma_start3A_260 = arith.constant 18 : i32
    %dma_start3A_261 = arith.constant 0 : i32
    %dma_start3A_262 = tpu.memref_slice %arg6[%dma_start3A_260, %dma_start3A_261] : memref<32x128xi32, #tpu.memory_space<vmem>> -> memref<1x128xi32, #tpu.memory_space<vmem>>
    %dma_start3A_263 = tpu.memref_squeeze %dma_start3A_262 : memref<1x128xi32, #tpu.memory_space<vmem>> -> memref<128xi32, #tpu.memory_space<vmem>>
    %dma_start3A_264 = arith.constant 0 : i32
    %dma_start3A_265 = tpu.memref_slice %arg10[%dma_start3A_264] : memref<500064xi32, #tpu.memory_space<vmem_shared>> -> memref<500064xi32, #tpu.memory_space<vmem_shared>>
    tpu.enqueue_indirect_dma source(%arg7 : memref<128xi32, #tpu.memory_space<vmem>>) target(%dma_start3A_265 : memref<500064xi32, #tpu.memory_space<vmem_shared>>) offsets(%dma_start3A_263 : memref<128xi32, #tpu.memory_space<vmem>>) semaphore(%arg12 : memref<!tpu.dma_semaphore, #tpu.memory_space<semaphore_mem>>) {add = true}
    %dma_start3A_266 = arith.constant 19 : i32
    %dma_start3A_267 = arith.constant 0 : i32
    %dma_start3A_268 = tpu.memref_slice %arg6[%dma_start3A_266, %dma_start3A_267] : memref<32x128xi32, #tpu.memory_space<vmem>> -> memref<1x128xi32, #tpu.memory_space<vmem>>
    %dma_start3A_269 = tpu.memref_squeeze %dma_start3A_268 : memref<1x128xi32, #tpu.memory_space<vmem>> -> memref<128xi32, #tpu.memory_space<vmem>>
    %dma_start3A_270 = arith.constant 0 : i32
    %dma_start3A_271 = tpu.memref_slice %arg10[%dma_start3A_270] : memref<500064xi32, #tpu.memory_space<vmem_shared>> -> memref<500064xi32, #tpu.memory_space<vmem_shared>>
    tpu.enqueue_indirect_dma source(%arg7 : memref<128xi32, #tpu.memory_space<vmem>>) target(%dma_start3A_271 : memref<500064xi32, #tpu.memory_space<vmem_shared>>) offsets(%dma_start3A_269 : memref<128xi32, #tpu.memory_space<vmem>>) semaphore(%arg12 : memref<!tpu.dma_semaphore, #tpu.memory_space<semaphore_mem>>) {add = true}
    %dma_start3A_272 = arith.constant 20 : i32
    %dma_start3A_273 = arith.constant 0 : i32
    %dma_start3A_274 = tpu.memref_slice %arg6[%dma_start3A_272, %dma_start3A_273] : memref<32x128xi32, #tpu.memory_space<vmem>> -> memref<1x128xi32, #tpu.memory_space<vmem>>
    %dma_start3A_275 = tpu.memref_squeeze %dma_start3A_274 : memref<1x128xi32, #tpu.memory_space<vmem>> -> memref<128xi32, #tpu.memory_space<vmem>>
    %dma_start3A_276 = arith.constant 0 : i32
    %dma_start3A_277 = tpu.memref_slice %arg10[%dma_start3A_276] : memref<500064xi32, #tpu.memory_space<vmem_shared>> -> memref<500064xi32, #tpu.memory_space<vmem_shared>>
    tpu.enqueue_indirect_dma source(%arg7 : memref<128xi32, #tpu.memory_space<vmem>>) target(%dma_start3A_277 : memref<500064xi32, #tpu.memory_space<vmem_shared>>) offsets(%dma_start3A_275 : memref<128xi32, #tpu.memory_space<vmem>>) semaphore(%arg12 : memref<!tpu.dma_semaphore, #tpu.memory_space<semaphore_mem>>) {add = true}
    %dma_start3A_278 = arith.constant 21 : i32
    %dma_start3A_279 = arith.constant 0 : i32
    %dma_start3A_280 = tpu.memref_slice %arg6[%dma_start3A_278, %dma_start3A_279] : memref<32x128xi32, #tpu.memory_space<vmem>> -> memref<1x128xi32, #tpu.memory_space<vmem>>
    %dma_start3A_281 = tpu.memref_squeeze %dma_start3A_280 : memref<1x128xi32, #tpu.memory_space<vmem>> -> memref<128xi32, #tpu.memory_space<vmem>>
    %dma_start3A_282 = arith.constant 0 : i32
    %dma_start3A_283 = tpu.memref_slice %arg10[%dma_start3A_282] : memref<500064xi32, #tpu.memory_space<vmem_shared>> -> memref<500064xi32, #tpu.memory_space<vmem_shared>>
    tpu.enqueue_indirect_dma source(%arg7 : memref<128xi32, #tpu.memory_space<vmem>>) target(%dma_start3A_283 : memref<500064xi32, #tpu.memory_space<vmem_shared>>) offsets(%dma_start3A_281 : memref<128xi32, #tpu.memory_space<vmem>>) semaphore(%arg12 : memref<!tpu.dma_semaphore, #tpu.memory_space<semaphore_mem>>) {add = true}
    %dma_start3A_284 = arith.constant 22 : i32
    %dma_start3A_285 = arith.constant 0 : i32
    %dma_start3A_286 = tpu.memref_slice %arg6[%dma_start3A_284, %dma_start3A_285] : memref<32x128xi32, #tpu.memory_space<vmem>> -> memref<1x128xi32, #tpu.memory_space<vmem>>
    %dma_start3A_287 = tpu.memref_squeeze %dma_start3A_286 : memref<1x128xi32, #tpu.memory_space<vmem>> -> memref<128xi32, #tpu.memory_space<vmem>>
    %dma_start3A_288 = arith.constant 0 : i32
    %dma_start3A_289 = tpu.memref_slice %arg10[%dma_start3A_288] : memref<500064xi32, #tpu.memory_space<vmem_shared>> -> memref<500064xi32, #tpu.memory_space<vmem_shared>>
    tpu.enqueue_indirect_dma source(%arg7 : memref<128xi32, #tpu.memory_space<vmem>>) target(%dma_start3A_289 : memref<500064xi32, #tpu.memory_space<vmem_shared>>) offsets(%dma_start3A_287 : memref<128xi32, #tpu.memory_space<vmem>>) semaphore(%arg12 : memref<!tpu.dma_semaphore, #tpu.memory_space<semaphore_mem>>) {add = true}
    %dma_start3A_290 = arith.constant 23 : i32
    %dma_start3A_291 = arith.constant 0 : i32
    %dma_start3A_292 = tpu.memref_slice %arg6[%dma_start3A_290, %dma_start3A_291] : memref<32x128xi32, #tpu.memory_space<vmem>> -> memref<1x128xi32, #tpu.memory_space<vmem>>
    %dma_start3A_293 = tpu.memref_squeeze %dma_start3A_292 : memref<1x128xi32, #tpu.memory_space<vmem>> -> memref<128xi32, #tpu.memory_space<vmem>>
    %dma_start3A_294 = arith.constant 0 : i32
    %dma_start3A_295 = tpu.memref_slice %arg10[%dma_start3A_294] : memref<500064xi32, #tpu.memory_space<vmem_shared>> -> memref<500064xi32, #tpu.memory_space<vmem_shared>>
    tpu.enqueue_indirect_dma source(%arg7 : memref<128xi32, #tpu.memory_space<vmem>>) target(%dma_start3A_295 : memref<500064xi32, #tpu.memory_space<vmem_shared>>) offsets(%dma_start3A_293 : memref<128xi32, #tpu.memory_space<vmem>>) semaphore(%arg12 : memref<!tpu.dma_semaphore, #tpu.memory_space<semaphore_mem>>) {add = true}
    %dma_start3A_296 = arith.constant 24 : i32
    %dma_start3A_297 = arith.constant 0 : i32
    %dma_start3A_298 = tpu.memref_slice %arg6[%dma_start3A_296, %dma_start3A_297] : memref<32x128xi32, #tpu.memory_space<vmem>> -> memref<1x128xi32, #tpu.memory_space<vmem>>
    %dma_start3A_299 = tpu.memref_squeeze %dma_start3A_298 : memref<1x128xi32, #tpu.memory_space<vmem>> -> memref<128xi32, #tpu.memory_space<vmem>>
    %dma_start3A_300 = arith.constant 0 : i32
    %dma_start3A_301 = tpu.memref_slice %arg10[%dma_start3A_300] : memref<500064xi32, #tpu.memory_space<vmem_shared>> -> memref<500064xi32, #tpu.memory_space<vmem_shared>>
    tpu.enqueue_indirect_dma source(%arg7 : memref<128xi32, #tpu.memory_space<vmem>>) target(%dma_start3A_301 : memref<500064xi32, #tpu.memory_space<vmem_shared>>) offsets(%dma_start3A_299 : memref<128xi32, #tpu.memory_space<vmem>>) semaphore(%arg12 : memref<!tpu.dma_semaphore, #tpu.memory_space<semaphore_mem>>) {add = true}
    %dma_start3A_302 = arith.constant 25 : i32
    %dma_start3A_303 = arith.constant 0 : i32
    %dma_start3A_304 = tpu.memref_slice %arg6[%dma_start3A_302, %dma_start3A_303] : memref<32x128xi32, #tpu.memory_space<vmem>> -> memref<1x128xi32, #tpu.memory_space<vmem>>
    %dma_start3A_305 = tpu.memref_squeeze %dma_start3A_304 : memref<1x128xi32, #tpu.memory_space<vmem>> -> memref<128xi32, #tpu.memory_space<vmem>>
    %dma_start3A_306 = arith.constant 0 : i32
    %dma_start3A_307 = tpu.memref_slice %arg10[%dma_start3A_306] : memref<500064xi32, #tpu.memory_space<vmem_shared>> -> memref<500064xi32, #tpu.memory_space<vmem_shared>>
    tpu.enqueue_indirect_dma source(%arg7 : memref<128xi32, #tpu.memory_space<vmem>>) target(%dma_start3A_307 : memref<500064xi32, #tpu.memory_space<vmem_shared>>) offsets(%dma_start3A_305 : memref<128xi32, #tpu.memory_space<vmem>>) semaphore(%arg12 : memref<!tpu.dma_semaphore, #tpu.memory_space<semaphore_mem>>) {add = true}
    %dma_start3A_308 = arith.constant 26 : i32
    %dma_start3A_309 = arith.constant 0 : i32
    %dma_start3A_310 = tpu.memref_slice %arg6[%dma_start3A_308, %dma_start3A_309] : memref<32x128xi32, #tpu.memory_space<vmem>> -> memref<1x128xi32, #tpu.memory_space<vmem>>
    %dma_start3A_311 = tpu.memref_squeeze %dma_start3A_310 : memref<1x128xi32, #tpu.memory_space<vmem>> -> memref<128xi32, #tpu.memory_space<vmem>>
    %dma_start3A_312 = arith.constant 0 : i32
    %dma_start3A_313 = tpu.memref_slice %arg10[%dma_start3A_312] : memref<500064xi32, #tpu.memory_space<vmem_shared>> -> memref<500064xi32, #tpu.memory_space<vmem_shared>>
    tpu.enqueue_indirect_dma source(%arg7 : memref<128xi32, #tpu.memory_space<vmem>>) target(%dma_start3A_313 : memref<500064xi32, #tpu.memory_space<vmem_shared>>) offsets(%dma_start3A_311 : memref<128xi32, #tpu.memory_space<vmem>>) semaphore(%arg12 : memref<!tpu.dma_semaphore, #tpu.memory_space<semaphore_mem>>) {add = true}
    %dma_start3A_314 = arith.constant 27 : i32
    %dma_start3A_315 = arith.constant 0 : i32
    %dma_start3A_316 = tpu.memref_slice %arg6[%dma_start3A_314, %dma_start3A_315] : memref<32x128xi32, #tpu.memory_space<vmem>> -> memref<1x128xi32, #tpu.memory_space<vmem>>
    %dma_start3A_317 = tpu.memref_squeeze %dma_start3A_316 : memref<1x128xi32, #tpu.memory_space<vmem>> -> memref<128xi32, #tpu.memory_space<vmem>>
    %dma_start3A_318 = arith.constant 0 : i32
    %dma_start3A_319 = tpu.memref_slice %arg10[%dma_start3A_318] : memref<500064xi32, #tpu.memory_space<vmem_shared>> -> memref<500064xi32, #tpu.memory_space<vmem_shared>>
    tpu.enqueue_indirect_dma source(%arg7 : memref<128xi32, #tpu.memory_space<vmem>>) target(%dma_start3A_319 : memref<500064xi32, #tpu.memory_space<vmem_shared>>) offsets(%dma_start3A_317 : memref<128xi32, #tpu.memory_space<vmem>>) semaphore(%arg12 : memref<!tpu.dma_semaphore, #tpu.memory_space<semaphore_mem>>) {add = true}
    %dma_start3A_320 = arith.constant 28 : i32
    %dma_start3A_321 = arith.constant 0 : i32
    %dma_start3A_322 = tpu.memref_slice %arg6[%dma_start3A_320, %dma_start3A_321] : memref<32x128xi32, #tpu.memory_space<vmem>> -> memref<1x128xi32, #tpu.memory_space<vmem>>
    %dma_start3A_323 = tpu.memref_squeeze %dma_start3A_322 : memref<1x128xi32, #tpu.memory_space<vmem>> -> memref<128xi32, #tpu.memory_space<vmem>>
    %dma_start3A_324 = arith.constant 0 : i32
    %dma_start3A_325 = tpu.memref_slice %arg10[%dma_start3A_324] : memref<500064xi32, #tpu.memory_space<vmem_shared>> -> memref<500064xi32, #tpu.memory_space<vmem_shared>>
    tpu.enqueue_indirect_dma source(%arg7 : memref<128xi32, #tpu.memory_space<vmem>>) target(%dma_start3A_325 : memref<500064xi32, #tpu.memory_space<vmem_shared>>) offsets(%dma_start3A_323 : memref<128xi32, #tpu.memory_space<vmem>>) semaphore(%arg12 : memref<!tpu.dma_semaphore, #tpu.memory_space<semaphore_mem>>) {add = true}
    %dma_start3A_326 = arith.constant 29 : i32
    %dma_start3A_327 = arith.constant 0 : i32
    %dma_start3A_328 = tpu.memref_slice %arg6[%dma_start3A_326, %dma_start3A_327] : memref<32x128xi32, #tpu.memory_space<vmem>> -> memref<1x128xi32, #tpu.memory_space<vmem>>
    %dma_start3A_329 = tpu.memref_squeeze %dma_start3A_328 : memref<1x128xi32, #tpu.memory_space<vmem>> -> memref<128xi32, #tpu.memory_space<vmem>>
    %dma_start3A_330 = arith.constant 0 : i32
    %dma_start3A_331 = tpu.memref_slice %arg10[%dma_start3A_330] : memref<500064xi32, #tpu.memory_space<vmem_shared>> -> memref<500064xi32, #tpu.memory_space<vmem_shared>>
    tpu.enqueue_indirect_dma source(%arg7 : memref<128xi32, #tpu.memory_space<vmem>>) target(%dma_start3A_331 : memref<500064xi32, #tpu.memory_space<vmem_shared>>) offsets(%dma_start3A_329 : memref<128xi32, #tpu.memory_space<vmem>>) semaphore(%arg12 : memref<!tpu.dma_semaphore, #tpu.memory_space<semaphore_mem>>) {add = true}
    %dma_start3A_332 = arith.constant 30 : i32
    %dma_start3A_333 = arith.constant 0 : i32
    %dma_start3A_334 = tpu.memref_slice %arg6[%dma_start3A_332, %dma_start3A_333] : memref<32x128xi32, #tpu.memory_space<vmem>> -> memref<1x128xi32, #tpu.memory_space<vmem>>
    %dma_start3A_335 = tpu.memref_squeeze %dma_start3A_334 : memref<1x128xi32, #tpu.memory_space<vmem>> -> memref<128xi32, #tpu.memory_space<vmem>>
    %dma_start3A_336 = arith.constant 0 : i32
    %dma_start3A_337 = tpu.memref_slice %arg10[%dma_start3A_336] : memref<500064xi32, #tpu.memory_space<vmem_shared>> -> memref<500064xi32, #tpu.memory_space<vmem_shared>>
    tpu.enqueue_indirect_dma source(%arg7 : memref<128xi32, #tpu.memory_space<vmem>>) target(%dma_start3A_337 : memref<500064xi32, #tpu.memory_space<vmem_shared>>) offsets(%dma_start3A_335 : memref<128xi32, #tpu.memory_space<vmem>>) semaphore(%arg12 : memref<!tpu.dma_semaphore, #tpu.memory_space<semaphore_mem>>) {add = true}
    %dma_start3A_338 = arith.constant 31 : i32
    %dma_start3A_339 = arith.constant 0 : i32
    %dma_start3A_340 = tpu.memref_slice %arg6[%dma_start3A_338, %dma_start3A_339] : memref<32x128xi32, #tpu.memory_space<vmem>> -> memref<1x128xi32, #tpu.memory_space<vmem>>
    %dma_start3A_341 = tpu.memref_squeeze %dma_start3A_340 : memref<1x128xi32, #tpu.memory_space<vmem>> -> memref<128xi32, #tpu.memory_space<vmem>>
    %dma_start3A_342 = arith.constant 0 : i32
    %dma_start3A_343 = tpu.memref_slice %arg10[%dma_start3A_342] : memref<500064xi32, #tpu.memory_space<vmem_shared>> -> memref<500064xi32, #tpu.memory_space<vmem_shared>>
    tpu.enqueue_indirect_dma source(%arg7 : memref<128xi32, #tpu.memory_space<vmem>>) target(%dma_start3A_343 : memref<500064xi32, #tpu.memory_space<vmem_shared>>) offsets(%dma_start3A_341 : memref<128xi32, #tpu.memory_space<vmem>>) semaphore(%arg12 : memref<!tpu.dma_semaphore, #tpu.memory_space<semaphore_mem>>) {add = true}
    %dma_start3A_344 = arith.constant 0 : i32
    %dma_start3A_345 = tpu.memref_slice %arg10[%dma_start3A_344] : memref<500064xi32, #tpu.memory_space<vmem_shared>> -> memref<500064xi32, #tpu.memory_space<vmem_shared>>
    tpu.enqueue_indirect_dma source(%arg7 : memref<128xi32, #tpu.memory_space<vmem>>) target(%dma_start3A_345 : memref<500064xi32, #tpu.memory_space<vmem_shared>>) offsets(%arg8 : memref<128xi32, #tpu.memory_space<vmem>>) semaphore(%arg12 : memref<!tpu.dma_semaphore, #tpu.memory_space<semaphore_mem>>) {add = true}
    %dma_wait3A_346 = arith.constant 0 : i32
    %dma_wait3A_347 = arith.constant 0 : i32
    %dma_wait3A_348 = tpu.memref_slice %arg6[%dma_wait3A_346, %dma_wait3A_347] : memref<32x128xi32, #tpu.memory_space<vmem>> -> memref<1x128xi32, #tpu.memory_space<vmem>>
    %dma_wait3A_349 = tpu.memref_squeeze %dma_wait3A_348 : memref<1x128xi32, #tpu.memory_space<vmem>> -> memref<128xi32, #tpu.memory_space<vmem>>
    %dma_wait3A_350 = arith.constant 0 : i32
    %dma_wait3A_351 = tpu.memref_slice %arg10[%dma_wait3A_350] : memref<500064xi32, #tpu.memory_space<vmem_shared>> -> memref<500064xi32, #tpu.memory_space<vmem_shared>>
    tpu.wait_indirect_dma semaphore(%arg12 : memref<!tpu.dma_semaphore, #tpu.memory_space<semaphore_mem>>) src(%arg7 : memref<128xi32, #tpu.memory_space<vmem>>) dst(%dma_wait3A_351 : memref<500064xi32, #tpu.memory_space<vmem_shared>>)
    %dma_wait3A_352 = arith.constant 1 : i32
    %dma_wait3A_353 = arith.constant 0 : i32
    %dma_wait3A_354 = tpu.memref_slice %arg6[%dma_wait3A_352, %dma_wait3A_353] : memref<32x128xi32, #tpu.memory_space<vmem>> -> memref<1x128xi32, #tpu.memory_space<vmem>>
    %dma_wait3A_355 = tpu.memref_squeeze %dma_wait3A_354 : memref<1x128xi32, #tpu.memory_space<vmem>> -> memref<128xi32, #tpu.memory_space<vmem>>
    %dma_wait3A_356 = arith.constant 0 : i32
    %dma_wait3A_357 = tpu.memref_slice %arg10[%dma_wait3A_356] : memref<500064xi32, #tpu.memory_space<vmem_shared>> -> memref<500064xi32, #tpu.memory_space<vmem_shared>>
    tpu.wait_indirect_dma semaphore(%arg12 : memref<!tpu.dma_semaphore, #tpu.memory_space<semaphore_mem>>) src(%arg7 : memref<128xi32, #tpu.memory_space<vmem>>) dst(%dma_wait3A_357 : memref<500064xi32, #tpu.memory_space<vmem_shared>>)
    %dma_wait3A_358 = arith.constant 2 : i32
    %dma_wait3A_359 = arith.constant 0 : i32
    %dma_wait3A_360 = tpu.memref_slice %arg6[%dma_wait3A_358, %dma_wait3A_359] : memref<32x128xi32, #tpu.memory_space<vmem>> -> memref<1x128xi32, #tpu.memory_space<vmem>>
    %dma_wait3A_361 = tpu.memref_squeeze %dma_wait3A_360 : memref<1x128xi32, #tpu.memory_space<vmem>> -> memref<128xi32, #tpu.memory_space<vmem>>
    %dma_wait3A_362 = arith.constant 0 : i32
    %dma_wait3A_363 = tpu.memref_slice %arg10[%dma_wait3A_362] : memref<500064xi32, #tpu.memory_space<vmem_shared>> -> memref<500064xi32, #tpu.memory_space<vmem_shared>>
    tpu.wait_indirect_dma semaphore(%arg12 : memref<!tpu.dma_semaphore, #tpu.memory_space<semaphore_mem>>) src(%arg7 : memref<128xi32, #tpu.memory_space<vmem>>) dst(%dma_wait3A_363 : memref<500064xi32, #tpu.memory_space<vmem_shared>>)
    %dma_wait3A_364 = arith.constant 3 : i32
    %dma_wait3A_365 = arith.constant 0 : i32
    %dma_wait3A_366 = tpu.memref_slice %arg6[%dma_wait3A_364, %dma_wait3A_365] : memref<32x128xi32, #tpu.memory_space<vmem>> -> memref<1x128xi32, #tpu.memory_space<vmem>>
    %dma_wait3A_367 = tpu.memref_squeeze %dma_wait3A_366 : memref<1x128xi32, #tpu.memory_space<vmem>> -> memref<128xi32, #tpu.memory_space<vmem>>
    %dma_wait3A_368 = arith.constant 0 : i32
    %dma_wait3A_369 = tpu.memref_slice %arg10[%dma_wait3A_368] : memref<500064xi32, #tpu.memory_space<vmem_shared>> -> memref<500064xi32, #tpu.memory_space<vmem_shared>>
    tpu.wait_indirect_dma semaphore(%arg12 : memref<!tpu.dma_semaphore, #tpu.memory_space<semaphore_mem>>) src(%arg7 : memref<128xi32, #tpu.memory_space<vmem>>) dst(%dma_wait3A_369 : memref<500064xi32, #tpu.memory_space<vmem_shared>>)
    %dma_wait3A_370 = arith.constant 4 : i32
    %dma_wait3A_371 = arith.constant 0 : i32
    %dma_wait3A_372 = tpu.memref_slice %arg6[%dma_wait3A_370, %dma_wait3A_371] : memref<32x128xi32, #tpu.memory_space<vmem>> -> memref<1x128xi32, #tpu.memory_space<vmem>>
    %dma_wait3A_373 = tpu.memref_squeeze %dma_wait3A_372 : memref<1x128xi32, #tpu.memory_space<vmem>> -> memref<128xi32, #tpu.memory_space<vmem>>
    %dma_wait3A_374 = arith.constant 0 : i32
    %dma_wait3A_375 = tpu.memref_slice %arg10[%dma_wait3A_374] : memref<500064xi32, #tpu.memory_space<vmem_shared>> -> memref<500064xi32, #tpu.memory_space<vmem_shared>>
    tpu.wait_indirect_dma semaphore(%arg12 : memref<!tpu.dma_semaphore, #tpu.memory_space<semaphore_mem>>) src(%arg7 : memref<128xi32, #tpu.memory_space<vmem>>) dst(%dma_wait3A_375 : memref<500064xi32, #tpu.memory_space<vmem_shared>>)
    %dma_wait3A_376 = arith.constant 5 : i32
    %dma_wait3A_377 = arith.constant 0 : i32
    %dma_wait3A_378 = tpu.memref_slice %arg6[%dma_wait3A_376, %dma_wait3A_377] : memref<32x128xi32, #tpu.memory_space<vmem>> -> memref<1x128xi32, #tpu.memory_space<vmem>>
    %dma_wait3A_379 = tpu.memref_squeeze %dma_wait3A_378 : memref<1x128xi32, #tpu.memory_space<vmem>> -> memref<128xi32, #tpu.memory_space<vmem>>
    %dma_wait3A_380 = arith.constant 0 : i32
    %dma_wait3A_381 = tpu.memref_slice %arg10[%dma_wait3A_380] : memref<500064xi32, #tpu.memory_space<vmem_shared>> -> memref<500064xi32, #tpu.memory_space<vmem_shared>>
    tpu.wait_indirect_dma semaphore(%arg12 : memref<!tpu.dma_semaphore, #tpu.memory_space<semaphore_mem>>) src(%arg7 : memref<128xi32, #tpu.memory_space<vmem>>) dst(%dma_wait3A_381 : memref<500064xi32, #tpu.memory_space<vmem_shared>>)
    %dma_wait3A_382 = arith.constant 6 : i32
    %dma_wait3A_383 = arith.constant 0 : i32
    %dma_wait3A_384 = tpu.memref_slice %arg6[%dma_wait3A_382, %dma_wait3A_383] : memref<32x128xi32, #tpu.memory_space<vmem>> -> memref<1x128xi32, #tpu.memory_space<vmem>>
    %dma_wait3A_385 = tpu.memref_squeeze %dma_wait3A_384 : memref<1x128xi32, #tpu.memory_space<vmem>> -> memref<128xi32, #tpu.memory_space<vmem>>
    %dma_wait3A_386 = arith.constant 0 : i32
    %dma_wait3A_387 = tpu.memref_slice %arg10[%dma_wait3A_386] : memref<500064xi32, #tpu.memory_space<vmem_shared>> -> memref<500064xi32, #tpu.memory_space<vmem_shared>>
    tpu.wait_indirect_dma semaphore(%arg12 : memref<!tpu.dma_semaphore, #tpu.memory_space<semaphore_mem>>) src(%arg7 : memref<128xi32, #tpu.memory_space<vmem>>) dst(%dma_wait3A_387 : memref<500064xi32, #tpu.memory_space<vmem_shared>>)
    %dma_wait3A_388 = arith.constant 7 : i32
    %dma_wait3A_389 = arith.constant 0 : i32
    %dma_wait3A_390 = tpu.memref_slice %arg6[%dma_wait3A_388, %dma_wait3A_389] : memref<32x128xi32, #tpu.memory_space<vmem>> -> memref<1x128xi32, #tpu.memory_space<vmem>>
    %dma_wait3A_391 = tpu.memref_squeeze %dma_wait3A_390 : memref<1x128xi32, #tpu.memory_space<vmem>> -> memref<128xi32, #tpu.memory_space<vmem>>
    %dma_wait3A_392 = arith.constant 0 : i32
    %dma_wait3A_393 = tpu.memref_slice %arg10[%dma_wait3A_392] : memref<500064xi32, #tpu.memory_space<vmem_shared>> -> memref<500064xi32, #tpu.memory_space<vmem_shared>>
    tpu.wait_indirect_dma semaphore(%arg12 : memref<!tpu.dma_semaphore, #tpu.memory_space<semaphore_mem>>) src(%arg7 : memref<128xi32, #tpu.memory_space<vmem>>) dst(%dma_wait3A_393 : memref<500064xi32, #tpu.memory_space<vmem_shared>>)
    %dma_wait3A_394 = arith.constant 8 : i32
    %dma_wait3A_395 = arith.constant 0 : i32
    %dma_wait3A_396 = tpu.memref_slice %arg6[%dma_wait3A_394, %dma_wait3A_395] : memref<32x128xi32, #tpu.memory_space<vmem>> -> memref<1x128xi32, #tpu.memory_space<vmem>>
    %dma_wait3A_397 = tpu.memref_squeeze %dma_wait3A_396 : memref<1x128xi32, #tpu.memory_space<vmem>> -> memref<128xi32, #tpu.memory_space<vmem>>
    %dma_wait3A_398 = arith.constant 0 : i32
    %dma_wait3A_399 = tpu.memref_slice %arg10[%dma_wait3A_398] : memref<500064xi32, #tpu.memory_space<vmem_shared>> -> memref<500064xi32, #tpu.memory_space<vmem_shared>>
    tpu.wait_indirect_dma semaphore(%arg12 : memref<!tpu.dma_semaphore, #tpu.memory_space<semaphore_mem>>) src(%arg7 : memref<128xi32, #tpu.memory_space<vmem>>) dst(%dma_wait3A_399 : memref<500064xi32, #tpu.memory_space<vmem_shared>>)
    %dma_wait3A_400 = arith.constant 9 : i32
    %dma_wait3A_401 = arith.constant 0 : i32
    %dma_wait3A_402 = tpu.memref_slice %arg6[%dma_wait3A_400, %dma_wait3A_401] : memref<32x128xi32, #tpu.memory_space<vmem>> -> memref<1x128xi32, #tpu.memory_space<vmem>>
    %dma_wait3A_403 = tpu.memref_squeeze %dma_wait3A_402 : memref<1x128xi32, #tpu.memory_space<vmem>> -> memref<128xi32, #tpu.memory_space<vmem>>
    %dma_wait3A_404 = arith.constant 0 : i32
    %dma_wait3A_405 = tpu.memref_slice %arg10[%dma_wait3A_404] : memref<500064xi32, #tpu.memory_space<vmem_shared>> -> memref<500064xi32, #tpu.memory_space<vmem_shared>>
    tpu.wait_indirect_dma semaphore(%arg12 : memref<!tpu.dma_semaphore, #tpu.memory_space<semaphore_mem>>) src(%arg7 : memref<128xi32, #tpu.memory_space<vmem>>) dst(%dma_wait3A_405 : memref<500064xi32, #tpu.memory_space<vmem_shared>>)
    %dma_wait3A_406 = arith.constant 10 : i32
    %dma_wait3A_407 = arith.constant 0 : i32
    %dma_wait3A_408 = tpu.memref_slice %arg6[%dma_wait3A_406, %dma_wait3A_407] : memref<32x128xi32, #tpu.memory_space<vmem>> -> memref<1x128xi32, #tpu.memory_space<vmem>>
    %dma_wait3A_409 = tpu.memref_squeeze %dma_wait3A_408 : memref<1x128xi32, #tpu.memory_space<vmem>> -> memref<128xi32, #tpu.memory_space<vmem>>
    %dma_wait3A_410 = arith.constant 0 : i32
    %dma_wait3A_411 = tpu.memref_slice %arg10[%dma_wait3A_410] : memref<500064xi32, #tpu.memory_space<vmem_shared>> -> memref<500064xi32, #tpu.memory_space<vmem_shared>>
    tpu.wait_indirect_dma semaphore(%arg12 : memref<!tpu.dma_semaphore, #tpu.memory_space<semaphore_mem>>) src(%arg7 : memref<128xi32, #tpu.memory_space<vmem>>) dst(%dma_wait3A_411 : memref<500064xi32, #tpu.memory_space<vmem_shared>>)
    %dma_wait3A_412 = arith.constant 11 : i32
    %dma_wait3A_413 = arith.constant 0 : i32
    %dma_wait3A_414 = tpu.memref_slice %arg6[%dma_wait3A_412, %dma_wait3A_413] : memref<32x128xi32, #tpu.memory_space<vmem>> -> memref<1x128xi32, #tpu.memory_space<vmem>>
    %dma_wait3A_415 = tpu.memref_squeeze %dma_wait3A_414 : memref<1x128xi32, #tpu.memory_space<vmem>> -> memref<128xi32, #tpu.memory_space<vmem>>
    %dma_wait3A_416 = arith.constant 0 : i32
    %dma_wait3A_417 = tpu.memref_slice %arg10[%dma_wait3A_416] : memref<500064xi32, #tpu.memory_space<vmem_shared>> -> memref<500064xi32, #tpu.memory_space<vmem_shared>>
    tpu.wait_indirect_dma semaphore(%arg12 : memref<!tpu.dma_semaphore, #tpu.memory_space<semaphore_mem>>) src(%arg7 : memref<128xi32, #tpu.memory_space<vmem>>) dst(%dma_wait3A_417 : memref<500064xi32, #tpu.memory_space<vmem_shared>>)
    %dma_wait3A_418 = arith.constant 12 : i32
    %dma_wait3A_419 = arith.constant 0 : i32
    %dma_wait3A_420 = tpu.memref_slice %arg6[%dma_wait3A_418, %dma_wait3A_419] : memref<32x128xi32, #tpu.memory_space<vmem>> -> memref<1x128xi32, #tpu.memory_space<vmem>>
    %dma_wait3A_421 = tpu.memref_squeeze %dma_wait3A_420 : memref<1x128xi32, #tpu.memory_space<vmem>> -> memref<128xi32, #tpu.memory_space<vmem>>
    %dma_wait3A_422 = arith.constant 0 : i32
    %dma_wait3A_423 = tpu.memref_slice %arg10[%dma_wait3A_422] : memref<500064xi32, #tpu.memory_space<vmem_shared>> -> memref<500064xi32, #tpu.memory_space<vmem_shared>>
    tpu.wait_indirect_dma semaphore(%arg12 : memref<!tpu.dma_semaphore, #tpu.memory_space<semaphore_mem>>) src(%arg7 : memref<128xi32, #tpu.memory_space<vmem>>) dst(%dma_wait3A_423 : memref<500064xi32, #tpu.memory_space<vmem_shared>>)
    %dma_wait3A_424 = arith.constant 13 : i32
    %dma_wait3A_425 = arith.constant 0 : i32
    %dma_wait3A_426 = tpu.memref_slice %arg6[%dma_wait3A_424, %dma_wait3A_425] : memref<32x128xi32, #tpu.memory_space<vmem>> -> memref<1x128xi32, #tpu.memory_space<vmem>>
    %dma_wait3A_427 = tpu.memref_squeeze %dma_wait3A_426 : memref<1x128xi32, #tpu.memory_space<vmem>> -> memref<128xi32, #tpu.memory_space<vmem>>
    %dma_wait3A_428 = arith.constant 0 : i32
    %dma_wait3A_429 = tpu.memref_slice %arg10[%dma_wait3A_428] : memref<500064xi32, #tpu.memory_space<vmem_shared>> -> memref<500064xi32, #tpu.memory_space<vmem_shared>>
    tpu.wait_indirect_dma semaphore(%arg12 : memref<!tpu.dma_semaphore, #tpu.memory_space<semaphore_mem>>) src(%arg7 : memref<128xi32, #tpu.memory_space<vmem>>) dst(%dma_wait3A_429 : memref<500064xi32, #tpu.memory_space<vmem_shared>>)
    %dma_wait3A_430 = arith.constant 14 : i32
    %dma_wait3A_431 = arith.constant 0 : i32
    %dma_wait3A_432 = tpu.memref_slice %arg6[%dma_wait3A_430, %dma_wait3A_431] : memref<32x128xi32, #tpu.memory_space<vmem>> -> memref<1x128xi32, #tpu.memory_space<vmem>>
    %dma_wait3A_433 = tpu.memref_squeeze %dma_wait3A_432 : memref<1x128xi32, #tpu.memory_space<vmem>> -> memref<128xi32, #tpu.memory_space<vmem>>
    %dma_wait3A_434 = arith.constant 0 : i32
    %dma_wait3A_435 = tpu.memref_slice %arg10[%dma_wait3A_434] : memref<500064xi32, #tpu.memory_space<vmem_shared>> -> memref<500064xi32, #tpu.memory_space<vmem_shared>>
    tpu.wait_indirect_dma semaphore(%arg12 : memref<!tpu.dma_semaphore, #tpu.memory_space<semaphore_mem>>) src(%arg7 : memref<128xi32, #tpu.memory_space<vmem>>) dst(%dma_wait3A_435 : memref<500064xi32, #tpu.memory_space<vmem_shared>>)
    %dma_wait3A_436 = arith.constant 15 : i32
    %dma_wait3A_437 = arith.constant 0 : i32
    %dma_wait3A_438 = tpu.memref_slice %arg6[%dma_wait3A_436, %dma_wait3A_437] : memref<32x128xi32, #tpu.memory_space<vmem>> -> memref<1x128xi32, #tpu.memory_space<vmem>>
    %dma_wait3A_439 = tpu.memref_squeeze %dma_wait3A_438 : memref<1x128xi32, #tpu.memory_space<vmem>> -> memref<128xi32, #tpu.memory_space<vmem>>
    %dma_wait3A_440 = arith.constant 0 : i32
    %dma_wait3A_441 = tpu.memref_slice %arg10[%dma_wait3A_440] : memref<500064xi32, #tpu.memory_space<vmem_shared>> -> memref<500064xi32, #tpu.memory_space<vmem_shared>>
    tpu.wait_indirect_dma semaphore(%arg12 : memref<!tpu.dma_semaphore, #tpu.memory_space<semaphore_mem>>) src(%arg7 : memref<128xi32, #tpu.memory_space<vmem>>) dst(%dma_wait3A_441 : memref<500064xi32, #tpu.memory_space<vmem_shared>>)
    %dma_wait3A_442 = arith.constant 16 : i32
    %dma_wait3A_443 = arith.constant 0 : i32
    %dma_wait3A_444 = tpu.memref_slice %arg6[%dma_wait3A_442, %dma_wait3A_443] : memref<32x128xi32, #tpu.memory_space<vmem>> -> memref<1x128xi32, #tpu.memory_space<vmem>>
    %dma_wait3A_445 = tpu.memref_squeeze %dma_wait3A_444 : memref<1x128xi32, #tpu.memory_space<vmem>> -> memref<128xi32, #tpu.memory_space<vmem>>
    %dma_wait3A_446 = arith.constant 0 : i32
    %dma_wait3A_447 = tpu.memref_slice %arg10[%dma_wait3A_446] : memref<500064xi32, #tpu.memory_space<vmem_shared>> -> memref<500064xi32, #tpu.memory_space<vmem_shared>>
    tpu.wait_indirect_dma semaphore(%arg12 : memref<!tpu.dma_semaphore, #tpu.memory_space<semaphore_mem>>) src(%arg7 : memref<128xi32, #tpu.memory_space<vmem>>) dst(%dma_wait3A_447 : memref<500064xi32, #tpu.memory_space<vmem_shared>>)
    %dma_wait3A_448 = arith.constant 17 : i32
    %dma_wait3A_449 = arith.constant 0 : i32
    %dma_wait3A_450 = tpu.memref_slice %arg6[%dma_wait3A_448, %dma_wait3A_449] : memref<32x128xi32, #tpu.memory_space<vmem>> -> memref<1x128xi32, #tpu.memory_space<vmem>>
    %dma_wait3A_451 = tpu.memref_squeeze %dma_wait3A_450 : memref<1x128xi32, #tpu.memory_space<vmem>> -> memref<128xi32, #tpu.memory_space<vmem>>
    %dma_wait3A_452 = arith.constant 0 : i32
    %dma_wait3A_453 = tpu.memref_slice %arg10[%dma_wait3A_452] : memref<500064xi32, #tpu.memory_space<vmem_shared>> -> memref<500064xi32, #tpu.memory_space<vmem_shared>>
    tpu.wait_indirect_dma semaphore(%arg12 : memref<!tpu.dma_semaphore, #tpu.memory_space<semaphore_mem>>) src(%arg7 : memref<128xi32, #tpu.memory_space<vmem>>) dst(%dma_wait3A_453 : memref<500064xi32, #tpu.memory_space<vmem_shared>>)
    %dma_wait3A_454 = arith.constant 18 : i32
    %dma_wait3A_455 = arith.constant 0 : i32
    %dma_wait3A_456 = tpu.memref_slice %arg6[%dma_wait3A_454, %dma_wait3A_455] : memref<32x128xi32, #tpu.memory_space<vmem>> -> memref<1x128xi32, #tpu.memory_space<vmem>>
    %dma_wait3A_457 = tpu.memref_squeeze %dma_wait3A_456 : memref<1x128xi32, #tpu.memory_space<vmem>> -> memref<128xi32, #tpu.memory_space<vmem>>
    %dma_wait3A_458 = arith.constant 0 : i32
    %dma_wait3A_459 = tpu.memref_slice %arg10[%dma_wait3A_458] : memref<500064xi32, #tpu.memory_space<vmem_shared>> -> memref<500064xi32, #tpu.memory_space<vmem_shared>>
    tpu.wait_indirect_dma semaphore(%arg12 : memref<!tpu.dma_semaphore, #tpu.memory_space<semaphore_mem>>) src(%arg7 : memref<128xi32, #tpu.memory_space<vmem>>) dst(%dma_wait3A_459 : memref<500064xi32, #tpu.memory_space<vmem_shared>>)
    %dma_wait3A_460 = arith.constant 19 : i32
    %dma_wait3A_461 = arith.constant 0 : i32
    %dma_wait3A_462 = tpu.memref_slice %arg6[%dma_wait3A_460, %dma_wait3A_461] : memref<32x128xi32, #tpu.memory_space<vmem>> -> memref<1x128xi32, #tpu.memory_space<vmem>>
    %dma_wait3A_463 = tpu.memref_squeeze %dma_wait3A_462 : memref<1x128xi32, #tpu.memory_space<vmem>> -> memref<128xi32, #tpu.memory_space<vmem>>
    %dma_wait3A_464 = arith.constant 0 : i32
    %dma_wait3A_465 = tpu.memref_slice %arg10[%dma_wait3A_464] : memref<500064xi32, #tpu.memory_space<vmem_shared>> -> memref<500064xi32, #tpu.memory_space<vmem_shared>>
    tpu.wait_indirect_dma semaphore(%arg12 : memref<!tpu.dma_semaphore, #tpu.memory_space<semaphore_mem>>) src(%arg7 : memref<128xi32, #tpu.memory_space<vmem>>) dst(%dma_wait3A_465 : memref<500064xi32, #tpu.memory_space<vmem_shared>>)
    %dma_wait3A_466 = arith.constant 20 : i32
    %dma_wait3A_467 = arith.constant 0 : i32
    %dma_wait3A_468 = tpu.memref_slice %arg6[%dma_wait3A_466, %dma_wait3A_467] : memref<32x128xi32, #tpu.memory_space<vmem>> -> memref<1x128xi32, #tpu.memory_space<vmem>>
    %dma_wait3A_469 = tpu.memref_squeeze %dma_wait3A_468 : memref<1x128xi32, #tpu.memory_space<vmem>> -> memref<128xi32, #tpu.memory_space<vmem>>
    %dma_wait3A_470 = arith.constant 0 : i32
    %dma_wait3A_471 = tpu.memref_slice %arg10[%dma_wait3A_470] : memref<500064xi32, #tpu.memory_space<vmem_shared>> -> memref<500064xi32, #tpu.memory_space<vmem_shared>>
    tpu.wait_indirect_dma semaphore(%arg12 : memref<!tpu.dma_semaphore, #tpu.memory_space<semaphore_mem>>) src(%arg7 : memref<128xi32, #tpu.memory_space<vmem>>) dst(%dma_wait3A_471 : memref<500064xi32, #tpu.memory_space<vmem_shared>>)
    %dma_wait3A_472 = arith.constant 21 : i32
    %dma_wait3A_473 = arith.constant 0 : i32
    %dma_wait3A_474 = tpu.memref_slice %arg6[%dma_wait3A_472, %dma_wait3A_473] : memref<32x128xi32, #tpu.memory_space<vmem>> -> memref<1x128xi32, #tpu.memory_space<vmem>>
    %dma_wait3A_475 = tpu.memref_squeeze %dma_wait3A_474 : memref<1x128xi32, #tpu.memory_space<vmem>> -> memref<128xi32, #tpu.memory_space<vmem>>
    %dma_wait3A_476 = arith.constant 0 : i32
    %dma_wait3A_477 = tpu.memref_slice %arg10[%dma_wait3A_476] : memref<500064xi32, #tpu.memory_space<vmem_shared>> -> memref<500064xi32, #tpu.memory_space<vmem_shared>>
    tpu.wait_indirect_dma semaphore(%arg12 : memref<!tpu.dma_semaphore, #tpu.memory_space<semaphore_mem>>) src(%arg7 : memref<128xi32, #tpu.memory_space<vmem>>) dst(%dma_wait3A_477 : memref<500064xi32, #tpu.memory_space<vmem_shared>>)
    %dma_wait3A_478 = arith.constant 22 : i32
    %dma_wait3A_479 = arith.constant 0 : i32
    %dma_wait3A_480 = tpu.memref_slice %arg6[%dma_wait3A_478, %dma_wait3A_479] : memref<32x128xi32, #tpu.memory_space<vmem>> -> memref<1x128xi32, #tpu.memory_space<vmem>>
    %dma_wait3A_481 = tpu.memref_squeeze %dma_wait3A_480 : memref<1x128xi32, #tpu.memory_space<vmem>> -> memref<128xi32, #tpu.memory_space<vmem>>
    %dma_wait3A_482 = arith.constant 0 : i32
    %dma_wait3A_483 = tpu.memref_slice %arg10[%dma_wait3A_482] : memref<500064xi32, #tpu.memory_space<vmem_shared>> -> memref<500064xi32, #tpu.memory_space<vmem_shared>>
    tpu.wait_indirect_dma semaphore(%arg12 : memref<!tpu.dma_semaphore, #tpu.memory_space<semaphore_mem>>) src(%arg7 : memref<128xi32, #tpu.memory_space<vmem>>) dst(%dma_wait3A_483 : memref<500064xi32, #tpu.memory_space<vmem_shared>>)
    %dma_wait3A_484 = arith.constant 23 : i32
    %dma_wait3A_485 = arith.constant 0 : i32
    %dma_wait3A_486 = tpu.memref_slice %arg6[%dma_wait3A_484, %dma_wait3A_485] : memref<32x128xi32, #tpu.memory_space<vmem>> -> memref<1x128xi32, #tpu.memory_space<vmem>>
    %dma_wait3A_487 = tpu.memref_squeeze %dma_wait3A_486 : memref<1x128xi32, #tpu.memory_space<vmem>> -> memref<128xi32, #tpu.memory_space<vmem>>
    %dma_wait3A_488 = arith.constant 0 : i32
    %dma_wait3A_489 = tpu.memref_slice %arg10[%dma_wait3A_488] : memref<500064xi32, #tpu.memory_space<vmem_shared>> -> memref<500064xi32, #tpu.memory_space<vmem_shared>>
    tpu.wait_indirect_dma semaphore(%arg12 : memref<!tpu.dma_semaphore, #tpu.memory_space<semaphore_mem>>) src(%arg7 : memref<128xi32, #tpu.memory_space<vmem>>) dst(%dma_wait3A_489 : memref<500064xi32, #tpu.memory_space<vmem_shared>>)
    %dma_wait3A_490 = arith.constant 24 : i32
    %dma_wait3A_491 = arith.constant 0 : i32
    %dma_wait3A_492 = tpu.memref_slice %arg6[%dma_wait3A_490, %dma_wait3A_491] : memref<32x128xi32, #tpu.memory_space<vmem>> -> memref<1x128xi32, #tpu.memory_space<vmem>>
    %dma_wait3A_493 = tpu.memref_squeeze %dma_wait3A_492 : memref<1x128xi32, #tpu.memory_space<vmem>> -> memref<128xi32, #tpu.memory_space<vmem>>
    %dma_wait3A_494 = arith.constant 0 : i32
    %dma_wait3A_495 = tpu.memref_slice %arg10[%dma_wait3A_494] : memref<500064xi32, #tpu.memory_space<vmem_shared>> -> memref<500064xi32, #tpu.memory_space<vmem_shared>>
    tpu.wait_indirect_dma semaphore(%arg12 : memref<!tpu.dma_semaphore, #tpu.memory_space<semaphore_mem>>) src(%arg7 : memref<128xi32, #tpu.memory_space<vmem>>) dst(%dma_wait3A_495 : memref<500064xi32, #tpu.memory_space<vmem_shared>>)
    %dma_wait3A_496 = arith.constant 25 : i32
    %dma_wait3A_497 = arith.constant 0 : i32
    %dma_wait3A_498 = tpu.memref_slice %arg6[%dma_wait3A_496, %dma_wait3A_497] : memref<32x128xi32, #tpu.memory_space<vmem>> -> memref<1x128xi32, #tpu.memory_space<vmem>>
    %dma_wait3A_499 = tpu.memref_squeeze %dma_wait3A_498 : memref<1x128xi32, #tpu.memory_space<vmem>> -> memref<128xi32, #tpu.memory_space<vmem>>
    %dma_wait3A_500 = arith.constant 0 : i32
    %dma_wait3A_501 = tpu.memref_slice %arg10[%dma_wait3A_500] : memref<500064xi32, #tpu.memory_space<vmem_shared>> -> memref<500064xi32, #tpu.memory_space<vmem_shared>>
    tpu.wait_indirect_dma semaphore(%arg12 : memref<!tpu.dma_semaphore, #tpu.memory_space<semaphore_mem>>) src(%arg7 : memref<128xi32, #tpu.memory_space<vmem>>) dst(%dma_wait3A_501 : memref<500064xi32, #tpu.memory_space<vmem_shared>>)
    %dma_wait3A_502 = arith.constant 26 : i32
    %dma_wait3A_503 = arith.constant 0 : i32
    %dma_wait3A_504 = tpu.memref_slice %arg6[%dma_wait3A_502, %dma_wait3A_503] : memref<32x128xi32, #tpu.memory_space<vmem>> -> memref<1x128xi32, #tpu.memory_space<vmem>>
    %dma_wait3A_505 = tpu.memref_squeeze %dma_wait3A_504 : memref<1x128xi32, #tpu.memory_space<vmem>> -> memref<128xi32, #tpu.memory_space<vmem>>
    %dma_wait3A_506 = arith.constant 0 : i32
    %dma_wait3A_507 = tpu.memref_slice %arg10[%dma_wait3A_506] : memref<500064xi32, #tpu.memory_space<vmem_shared>> -> memref<500064xi32, #tpu.memory_space<vmem_shared>>
    tpu.wait_indirect_dma semaphore(%arg12 : memref<!tpu.dma_semaphore, #tpu.memory_space<semaphore_mem>>) src(%arg7 : memref<128xi32, #tpu.memory_space<vmem>>) dst(%dma_wait3A_507 : memref<500064xi32, #tpu.memory_space<vmem_shared>>)
    %dma_wait3A_508 = arith.constant 27 : i32
    %dma_wait3A_509 = arith.constant 0 : i32
    %dma_wait3A_510 = tpu.memref_slice %arg6[%dma_wait3A_508, %dma_wait3A_509] : memref<32x128xi32, #tpu.memory_space<vmem>> -> memref<1x128xi32, #tpu.memory_space<vmem>>
    %dma_wait3A_511 = tpu.memref_squeeze %dma_wait3A_510 : memref<1x128xi32, #tpu.memory_space<vmem>> -> memref<128xi32, #tpu.memory_space<vmem>>
    %dma_wait3A_512 = arith.constant 0 : i32
    %dma_wait3A_513 = tpu.memref_slice %arg10[%dma_wait3A_512] : memref<500064xi32, #tpu.memory_space<vmem_shared>> -> memref<500064xi32, #tpu.memory_space<vmem_shared>>
    tpu.wait_indirect_dma semaphore(%arg12 : memref<!tpu.dma_semaphore, #tpu.memory_space<semaphore_mem>>) src(%arg7 : memref<128xi32, #tpu.memory_space<vmem>>) dst(%dma_wait3A_513 : memref<500064xi32, #tpu.memory_space<vmem_shared>>)
    %dma_wait3A_514 = arith.constant 28 : i32
    %dma_wait3A_515 = arith.constant 0 : i32
    %dma_wait3A_516 = tpu.memref_slice %arg6[%dma_wait3A_514, %dma_wait3A_515] : memref<32x128xi32, #tpu.memory_space<vmem>> -> memref<1x128xi32, #tpu.memory_space<vmem>>
    %dma_wait3A_517 = tpu.memref_squeeze %dma_wait3A_516 : memref<1x128xi32, #tpu.memory_space<vmem>> -> memref<128xi32, #tpu.memory_space<vmem>>
    %dma_wait3A_518 = arith.constant 0 : i32
    %dma_wait3A_519 = tpu.memref_slice %arg10[%dma_wait3A_518] : memref<500064xi32, #tpu.memory_space<vmem_shared>> -> memref<500064xi32, #tpu.memory_space<vmem_shared>>
    tpu.wait_indirect_dma semaphore(%arg12 : memref<!tpu.dma_semaphore, #tpu.memory_space<semaphore_mem>>) src(%arg7 : memref<128xi32, #tpu.memory_space<vmem>>) dst(%dma_wait3A_519 : memref<500064xi32, #tpu.memory_space<vmem_shared>>)
    %dma_wait3A_520 = arith.constant 29 : i32
    %dma_wait3A_521 = arith.constant 0 : i32
    %dma_wait3A_522 = tpu.memref_slice %arg6[%dma_wait3A_520, %dma_wait3A_521] : memref<32x128xi32, #tpu.memory_space<vmem>> -> memref<1x128xi32, #tpu.memory_space<vmem>>
    %dma_wait3A_523 = tpu.memref_squeeze %dma_wait3A_522 : memref<1x128xi32, #tpu.memory_space<vmem>> -> memref<128xi32, #tpu.memory_space<vmem>>
    %dma_wait3A_524 = arith.constant 0 : i32
    %dma_wait3A_525 = tpu.memref_slice %arg10[%dma_wait3A_524] : memref<500064xi32, #tpu.memory_space<vmem_shared>> -> memref<500064xi32, #tpu.memory_space<vmem_shared>>
    tpu.wait_indirect_dma semaphore(%arg12 : memref<!tpu.dma_semaphore, #tpu.memory_space<semaphore_mem>>) src(%arg7 : memref<128xi32, #tpu.memory_space<vmem>>) dst(%dma_wait3A_525 : memref<500064xi32, #tpu.memory_space<vmem_shared>>)
    %dma_wait3A_526 = arith.constant 30 : i32
    %dma_wait3A_527 = arith.constant 0 : i32
    %dma_wait3A_528 = tpu.memref_slice %arg6[%dma_wait3A_526, %dma_wait3A_527] : memref<32x128xi32, #tpu.memory_space<vmem>> -> memref<1x128xi32, #tpu.memory_space<vmem>>
    %dma_wait3A_529 = tpu.memref_squeeze %dma_wait3A_528 : memref<1x128xi32, #tpu.memory_space<vmem>> -> memref<128xi32, #tpu.memory_space<vmem>>
    %dma_wait3A_530 = arith.constant 0 : i32
    %dma_wait3A_531 = tpu.memref_slice %arg10[%dma_wait3A_530] : memref<500064xi32, #tpu.memory_space<vmem_shared>> -> memref<500064xi32, #tpu.memory_space<vmem_shared>>
    tpu.wait_indirect_dma semaphore(%arg12 : memref<!tpu.dma_semaphore, #tpu.memory_space<semaphore_mem>>) src(%arg7 : memref<128xi32, #tpu.memory_space<vmem>>) dst(%dma_wait3A_531 : memref<500064xi32, #tpu.memory_space<vmem_shared>>)
    %dma_wait3A_532 = arith.constant 31 : i32
    %dma_wait3A_533 = arith.constant 0 : i32
    %dma_wait3A_534 = tpu.memref_slice %arg6[%dma_wait3A_532, %dma_wait3A_533] : memref<32x128xi32, #tpu.memory_space<vmem>> -> memref<1x128xi32, #tpu.memory_space<vmem>>
    %dma_wait3A_535 = tpu.memref_squeeze %dma_wait3A_534 : memref<1x128xi32, #tpu.memory_space<vmem>> -> memref<128xi32, #tpu.memory_space<vmem>>
    %dma_wait3A_536 = arith.constant 0 : i32
    %dma_wait3A_537 = tpu.memref_slice %arg10[%dma_wait3A_536] : memref<500064xi32, #tpu.memory_space<vmem_shared>> -> memref<500064xi32, #tpu.memory_space<vmem_shared>>
    tpu.wait_indirect_dma semaphore(%arg12 : memref<!tpu.dma_semaphore, #tpu.memory_space<semaphore_mem>>) src(%arg7 : memref<128xi32, #tpu.memory_space<vmem>>) dst(%dma_wait3A_537 : memref<500064xi32, #tpu.memory_space<vmem_shared>>)
    %dma_wait3A_538 = arith.constant 0 : i32
    %dma_wait3A_539 = tpu.memref_slice %arg10[%dma_wait3A_538] : memref<500064xi32, #tpu.memory_space<vmem_shared>> -> memref<500064xi32, #tpu.memory_space<vmem_shared>>
    tpu.wait_indirect_dma semaphore(%arg12 : memref<!tpu.dma_semaphore, #tpu.memory_space<semaphore_mem>>) src(%arg7 : memref<128xi32, #tpu.memory_space<vmem>>) dst(%dma_wait3A_539 : memref<500064xi32, #tpu.memory_space<vmem_shared>>)
    %barrier3A_540 = arith.constant 0 : index
    tpu.barrier barrier_id(%barrier3A_540)
    %mul3A_541 = arith.constant 500000 : i32
    %mul3A_542 = arith.muli %arg0, %mul3A_541 : i32
    %add3A_543 = arith.addi %mul3A_542, %mul3A_0 : i32
    "tpu.region"() ({
      %run_scoped3A = tpu.sem_alloc : memref<!tpu.dma_semaphore, #tpu.memory_space<semaphore_mem>>
      %dma_start3A_549 = tpu.memref_slice %arg10[%mul3A_0] : memref<500064xi32, #tpu.memory_space<vmem_shared>> -> memref<31248xi32, #tpu.memory_space<vmem_shared>>
      %dma_start3A_550 = tpu.memref_slice %arg10[%mul3A_0] : memref<500064xi32, #tpu.memory_space<vmem_shared>> -> memref<31248xi32, #tpu.memory_space<vmem_shared>>
      tpu.enqueue_dma source(%dma_start3A_550 : memref<31248xi32, #tpu.memory_space<vmem_shared>>) target(%arg9 : memref<31248xi32, #tpu.memory_space<vmem>>) target_semaphore(%run_scoped3A : memref<!tpu.dma_semaphore, #tpu.memory_space<semaphore_mem>>)
      %dma_wait3A_551 = tpu.memref_slice %arg10[%mul3A_0] : memref<500064xi32, #tpu.memory_space<vmem_shared>> -> memref<31248xi32, #tpu.memory_space<vmem_shared>>
      %dma_wait3A_552 = tpu.memref_slice %arg10[%mul3A_0] : memref<500064xi32, #tpu.memory_space<vmem_shared>> -> memref<31248xi32, #tpu.memory_space<vmem_shared>>
      tpu.wait_dma2 semaphore(%run_scoped3A : memref<!tpu.dma_semaphore, #tpu.memory_space<semaphore_mem>>) src(%dma_wait3A_552 : memref<31248xi32, #tpu.memory_space<vmem_shared>>) dst(%arg9 : memref<31248xi32, #tpu.memory_space<vmem>>)
      tpu.yield
    }) : () -> ()
    "tpu.region"() ({
      %run_scoped3A = tpu.sem_alloc : memref<!tpu.dma_semaphore, #tpu.memory_space<semaphore_mem>>
      %dma_start3A_549 = tpu.memref_slice %arg4[%add3A_543] : memref<1000000xi32, #tpu.memory_space<hbm>> -> memref<31248xi32, #tpu.memory_space<hbm>>
      %dma_start3A_550 = tpu.memref_slice %arg4[%add3A_543] : memref<1000000xi32, #tpu.memory_space<hbm>> -> memref<31248xi32, #tpu.memory_space<hbm>>
      tpu.enqueue_dma source(%arg9 : memref<31248xi32, #tpu.memory_space<vmem>>) target(%dma_start3A_550 : memref<31248xi32, #tpu.memory_space<hbm>>) target_semaphore(%run_scoped3A : memref<!tpu.dma_semaphore, #tpu.memory_space<semaphore_mem>>)
      %dma_wait3A_551 = tpu.memref_slice %arg4[%add3A_543] : memref<1000000xi32, #tpu.memory_space<hbm>> -> memref<31248xi32, #tpu.memory_space<hbm>>
      %dma_wait3A_552 = tpu.memref_slice %arg4[%add3A_543] : memref<1000000xi32, #tpu.memory_space<hbm>> -> memref<31248xi32, #tpu.memory_space<hbm>>
      tpu.wait_dma2 semaphore(%run_scoped3A : memref<!tpu.dma_semaphore, #tpu.memory_space<semaphore_mem>>) src(%arg9 : memref<31248xi32, #tpu.memory_space<vmem>>) dst(%dma_wait3A_552 : memref<31248xi32, #tpu.memory_space<hbm>>)
      tpu.yield
    }) : () -> ()
    %eq3A_544 = arith.constant 15 : i32
    %eq3A_545 = arith.cmpi eq, %arg1, %eq3A_544 : i32
    %convert_element_type3A_546 = arith.extui %eq3A_545 : i1 to i32
    %cond3A_547 = arith.constant 0 : i32
    %cond3A_548 = arith.cmpi ne, %convert_element_type3A_546, %cond3A_547 : i32
    scf.if %cond3A_548 {
      "tpu.region"() ({
        %run_scoped3A = tpu.sem_alloc : memref<!tpu.dma_semaphore, #tpu.memory_space<semaphore_mem>>
        %dma_start3A_553 = arith.constant 0 : i32
        %dma_start3A_554 = tpu.memref_slice %arg9[%dma_start3A_553] : memref<31248xi32, #tpu.memory_space<vmem>> -> memref<32xi32, #tpu.memory_space<vmem>>
        %dma_start3A_555 = arith.constant 499968 : i32
        %dma_start3A_556 = tpu.memref_slice %arg10[%dma_start3A_555] : memref<500064xi32, #tpu.memory_space<vmem_shared>> -> memref<32xi32, #tpu.memory_space<vmem_shared>>
        %dma_start3A_557 = arith.constant 0 : i32
        %dma_start3A_558 = tpu.memref_slice %arg9[%dma_start3A_557] : memref<31248xi32, #tpu.memory_space<vmem>> -> memref<32xi32, #tpu.memory_space<vmem>>
        %dma_start3A_559 = arith.constant 499968 : i32
        %dma_start3A_560 = tpu.memref_slice %arg10[%dma_start3A_559] : memref<500064xi32, #tpu.memory_space<vmem_shared>> -> memref<32xi32, #tpu.memory_space<vmem_shared>>
        tpu.enqueue_dma source(%dma_start3A_560 : memref<32xi32, #tpu.memory_space<vmem_shared>>) target(%dma_start3A_558 : memref<32xi32, #tpu.memory_space<vmem>>) target_semaphore(%run_scoped3A : memref<!tpu.dma_semaphore, #tpu.memory_space<semaphore_mem>>)
        %dma_wait3A_561 = arith.constant 0 : i32
        %dma_wait3A_562 = tpu.memref_slice %arg9[%dma_wait3A_561] : memref<31248xi32, #tpu.memory_space<vmem>> -> memref<32xi32, #tpu.memory_space<vmem>>
        %dma_wait3A_563 = arith.constant 499968 : i32
        %dma_wait3A_564 = tpu.memref_slice %arg10[%dma_wait3A_563] : memref<500064xi32, #tpu.memory_space<vmem_shared>> -> memref<32xi32, #tpu.memory_space<vmem_shared>>
        %dma_wait3A_565 = arith.constant 0 : i32
        %dma_wait3A_566 = tpu.memref_slice %arg9[%dma_wait3A_565] : memref<31248xi32, #tpu.memory_space<vmem>> -> memref<32xi32, #tpu.memory_space<vmem>>
        %dma_wait3A_567 = arith.constant 499968 : i32
        %dma_wait3A_568 = tpu.memref_slice %arg10[%dma_wait3A_567] : memref<500064xi32, #tpu.memory_space<vmem_shared>> -> memref<32xi32, #tpu.memory_space<vmem_shared>>
        tpu.wait_dma2 semaphore(%run_scoped3A : memref<!tpu.dma_semaphore, #tpu.memory_space<semaphore_mem>>) src(%dma_wait3A_568 : memref<32xi32, #tpu.memory_space<vmem_shared>>) dst(%dma_wait3A_566 : memref<32xi32, #tpu.memory_space<vmem>>)
        tpu.yield
      }) : () -> ()
      %mul3A_549 = arith.constant 500000 : i32
      %mul3A_550 = arith.muli %arg0, %mul3A_549 : i32
      %add3A_551 = arith.constant 499968 : i32
      %add3A_552 = arith.addi %mul3A_550, %add3A_551 : i32
      "tpu.region"() ({
        %run_scoped3A = tpu.sem_alloc : memref<!tpu.dma_semaphore, #tpu.memory_space<semaphore_mem>>
        %dma_start3A_553 = arith.constant 0 : i32
        %dma_start3A_554 = tpu.memref_slice %arg9[%dma_start3A_553] : memref<31248xi32, #tpu.memory_space<vmem>> -> memref<32xi32, #tpu.memory_space<vmem>>
        %dma_start3A_555 = tpu.memref_slice %arg4[%add3A_552] : memref<1000000xi32, #tpu.memory_space<hbm>> -> memref<32xi32, #tpu.memory_space<hbm>>
        %dma_start3A_556 = tpu.memref_slice %arg4[%add3A_552] : memref<1000000xi32, #tpu.memory_space<hbm>> -> memref<32xi32, #tpu.memory_space<hbm>>
        %dma_start3A_557 = arith.constant 0 : i32
        %dma_start3A_558 = tpu.memref_slice %arg9[%dma_start3A_557] : memref<31248xi32, #tpu.memory_space<vmem>> -> memref<32xi32, #tpu.memory_space<vmem>>
        tpu.enqueue_dma source(%dma_start3A_558 : memref<32xi32, #tpu.memory_space<vmem>>) target(%dma_start3A_556 : memref<32xi32, #tpu.memory_space<hbm>>) target_semaphore(%run_scoped3A : memref<!tpu.dma_semaphore, #tpu.memory_space<semaphore_mem>>)
        %dma_wait3A_559 = arith.constant 0 : i32
        %dma_wait3A_560 = tpu.memref_slice %arg9[%dma_wait3A_559] : memref<31248xi32, #tpu.memory_space<vmem>> -> memref<32xi32, #tpu.memory_space<vmem>>
        %dma_wait3A_561 = tpu.memref_slice %arg4[%add3A_552] : memref<1000000xi32, #tpu.memory_space<hbm>> -> memref<32xi32, #tpu.memory_space<hbm>>
        %dma_wait3A_562 = tpu.memref_slice %arg4[%add3A_552] : memref<1000000xi32, #tpu.memory_space<hbm>> -> memref<32xi32, #tpu.memory_space<hbm>>
        %dma_wait3A_563 = arith.constant 0 : i32
        %dma_wait3A_564 = tpu.memref_slice %arg9[%dma_wait3A_563] : memref<31248xi32, #tpu.memory_space<vmem>> -> memref<32xi32, #tpu.memory_space<vmem>>
        tpu.wait_dma2 semaphore(%run_scoped3A : memref<!tpu.dma_semaphore, #tpu.memory_space<semaphore_mem>>) src(%dma_wait3A_564 : memref<32xi32, #tpu.memory_space<vmem>>) dst(%dma_wait3A_562 : memref<32xi32, #tpu.memory_space<hbm>>)
        tpu.yield
      }) : () -> ()
    } else {
    }
    return
  }
}

module attributes {stable_mosaic.version = 14 : i64} {
  func.func @_tc_body(%arg0: i32, %arg1: memref<3x49152xf32, #tpu.memory_space<vmem>>, %arg2: memref<3x49152xf32, #tpu.memory_space<vmem>>, %arg3: memref<4x49152xf32, #tpu.memory_space<vmem>>, %arg4: memref<15x49152xf32, #tpu.memory_space<vmem>>, %arg5: memref<1x49152xf32, #tpu.memory_space<vmem>>, %arg6: memref<1x49152xi32, #tpu.memory_space<vmem>>, %arg7: memref<1x49152xi32, #tpu.memory_space<vmem>>, %arg8: memref<3x49152xf32, #tpu.memory_space<vmem>>, %arg9: memref<3x49152xf32, #tpu.memory_space<vmem>>, %arg10: memref<4x49152xf32, #tpu.memory_space<vmem>>, %arg11: memref<15x49152xf32, #tpu.memory_space<vmem>>, %arg12: memref<1x49152xf32, #tpu.memory_space<vmem>>, %arg13: memref<1x49152xi32, #tpu.memory_space<vmem>>) attributes {dimension_semantics = [#tpu.dimension_semantics<arbitrary>], iteration_bounds = array<i64: 21>, scalar_prefetch = 0 : i64, scratch_operands = 0 : i64, tpu.core_type = #tpu.core_type<tc>, window_params = [{transform_indices = @transform_0, window_bounds = array<i64: 3, 49152>}, {transform_indices = @transform_1, window_bounds = array<i64: 3, 49152>}, {transform_indices = @transform_2, window_bounds = array<i64: 4, 49152>}, {transform_indices = @transform_3, window_bounds = array<i64: 15, 49152>}, {transform_indices = @transform_4, window_bounds = array<i64: 1, 49152>}, {transform_indices = @transform_5, window_bounds = array<i64: 1, 49152>}, {transform_indices = @transform_6, window_bounds = array<i64: 1, 49152>}, {transform_indices = @transform_7, window_bounds = array<i64: 3, 49152>}, {transform_indices = @transform_8, window_bounds = array<i64: 3, 49152>}, {transform_indices = @transform_9, window_bounds = array<i64: 4, 49152>}, {transform_indices = @transform_10, window_bounds = array<i64: 15, 49152>}, {transform_indices = @transform_11, window_bounds = array<i64: 1, 49152>}, {transform_indices = @transform_12, window_bounds = array<i64: 1, 49152>}]} {
    %get3A = arith.constant 0 : index
    %get3A_0 = arith.constant 0 : index
    %get3A_1 = vector.load %arg7[%get3A, %get3A_0] : memref<1x49152xi32, #tpu.memory_space<vmem>>, vector<1x49152xi32>
    %eq3A = arith.constant 0 : i32
    %eq3A_2 = vector.broadcast %eq3A : i32 to vector<1x49152xi32>
    %eq3A_3 = arith.cmpi eq, %get3A_1, %eq3A_2 : vector<1x49152xi32>
    %convert_element_type3A = arith.extui %eq3A_3 : vector<1x49152xi1> to vector<1x49152xi32>
    %convert_element_type3A_4 = arith.sitofp %convert_element_type3A : vector<1x49152xi32> to vector<1x49152xf32>
    %get3A_5 = arith.constant 0 : index
    %get3A_6 = arith.constant 0 : index
    %get3A_7 = vector.load %arg1[%get3A_5, %get3A_6] : memref<3x49152xf32, #tpu.memory_space<vmem>>, vector<3x49152xf32>
    %mul3A = vector.broadcast %convert_element_type3A_4 : vector<1x49152xf32> to vector<3x49152xf32>
    %mul3A_8 = arith.mulf %get3A_7, %mul3A : vector<3x49152xf32>
    %swap3A = arith.constant 0 : index
    %swap3A_9 = arith.constant 0 : index
    %swap3A_10 = vector.load %arg8[%swap3A, %swap3A_9] : memref<3x49152xf32, #tpu.memory_space<vmem>>, vector<3x49152xf32>
    tpu.vector_store %arg8[%swap3A, %swap3A_9], %mul3A_8 {strides = array<i32>} : memref<3x49152xf32, #tpu.memory_space<vmem>>, vector<3x49152xf32>,
    %get3A_11 = arith.constant 0 : index
    %get3A_12 = arith.constant 0 : index
    %get3A_13 = vector.load %arg2[%get3A_11, %get3A_12] : memref<3x49152xf32, #tpu.memory_space<vmem>>, vector<3x49152xf32>
    %mul3A_14 = vector.broadcast %convert_element_type3A_4 : vector<1x49152xf32> to vector<3x49152xf32>
    %mul3A_15 = arith.mulf %get3A_13, %mul3A_14 : vector<3x49152xf32>
    %swap3A_16 = arith.constant 0 : index
    %swap3A_17 = arith.constant 0 : index
    %swap3A_18 = vector.load %arg9[%swap3A_16, %swap3A_17] : memref<3x49152xf32, #tpu.memory_space<vmem>>, vector<3x49152xf32>
    tpu.vector_store %arg9[%swap3A_16, %swap3A_17], %mul3A_15 {strides = array<i32>} : memref<3x49152xf32, #tpu.memory_space<vmem>>, vector<3x49152xf32>,
    %get3A_19 = arith.constant 0 : index
    %get3A_20 = arith.constant 0 : index
    %get3A_21 = vector.load %arg3[%get3A_19, %get3A_20] : memref<4x49152xf32, #tpu.memory_space<vmem>>, vector<4x49152xf32>
    %mul3A_22 = vector.broadcast %convert_element_type3A_4 : vector<1x49152xf32> to vector<4x49152xf32>
    %mul3A_23 = arith.mulf %get3A_21, %mul3A_22 : vector<4x49152xf32>
    %swap3A_24 = arith.constant 0 : index
    %swap3A_25 = arith.constant 0 : index
    %swap3A_26 = vector.load %arg10[%swap3A_24, %swap3A_25] : memref<4x49152xf32, #tpu.memory_space<vmem>>, vector<4x49152xf32>
    tpu.vector_store %arg10[%swap3A_24, %swap3A_25], %mul3A_23 {strides = array<i32>} : memref<4x49152xf32, #tpu.memory_space<vmem>>, vector<4x49152xf32>,
    %get3A_27 = arith.constant 0 : index
    %get3A_28 = arith.constant 0 : index
    %get3A_29 = vector.load %arg4[%get3A_27, %get3A_28] : memref<15x49152xf32, #tpu.memory_space<vmem>>, vector<15x49152xf32>
    %mul3A_30 = vector.broadcast %convert_element_type3A_4 : vector<1x49152xf32> to vector<15x49152xf32>
    %mul3A_31 = arith.mulf %get3A_29, %mul3A_30 : vector<15x49152xf32>
    %swap3A_32 = arith.constant 0 : index
    %swap3A_33 = arith.constant 0 : index
    %swap3A_34 = vector.load %arg11[%swap3A_32, %swap3A_33] : memref<15x49152xf32, #tpu.memory_space<vmem>>, vector<15x49152xf32>
    tpu.vector_store %arg11[%swap3A_32, %swap3A_33], %mul3A_31 {strides = array<i32>} : memref<15x49152xf32, #tpu.memory_space<vmem>>, vector<15x49152xf32>,
    %get3A_35 = arith.constant 0 : index
    %get3A_36 = arith.constant 0 : index
    %get3A_37 = vector.load %arg5[%get3A_35, %get3A_36] : memref<1x49152xf32, #tpu.memory_space<vmem>>, vector<1x49152xf32>
    %mul3A_38 = arith.mulf %get3A_37, %convert_element_type3A_4 : vector<1x49152xf32>
    %swap3A_39 = arith.constant 0 : index
    %swap3A_40 = arith.constant 0 : index
    %swap3A_41 = vector.load %arg12[%swap3A_39, %swap3A_40] : memref<1x49152xf32, #tpu.memory_space<vmem>>, vector<1x49152xf32>
    tpu.vector_store %arg12[%swap3A_39, %swap3A_40], %mul3A_38 {strides = array<i32>} : memref<1x49152xf32, #tpu.memory_space<vmem>>, vector<1x49152xf32>,
    %get3A_42 = arith.constant 0 : index
    %get3A_43 = arith.constant 0 : index
    %get3A_44 = vector.load %arg6[%get3A_42, %get3A_43] : memref<1x49152xi32, #tpu.memory_space<vmem>>, vector<1x49152xi32>
    %get3A_45 = arith.constant dense<0> : vector<1x49152xi32>
    %get3A_46 = arith.cmpi ne, %get3A_44, %get3A_45 : vector<1x49152xi32>
    %and3A = arith.andi %get3A_46, %eq3A_3 : vector<1x49152xi1>
    %swap3A_47 = arith.constant 0 : index
    %swap3A_48 = arith.constant 0 : index
    %swap3A_49 = vector.load %arg13[%swap3A_47, %swap3A_48] : memref<1x49152xi32, #tpu.memory_space<vmem>>, vector<1x49152xi32>
    %swap3A_50 = arith.extui %and3A : vector<1x49152xi1> to vector<1x49152xi32>
    %swap3A_51 = arith.constant dense<0> : vector<1x49152xi32>
    %swap3A_52 = arith.cmpi ne, %swap3A_49, %swap3A_51 : vector<1x49152xi32>
    tpu.vector_store %arg13[%swap3A_47, %swap3A_48], %swap3A_50 {strides = array<i32>} : memref<1x49152xi32, #tpu.memory_space<vmem>>, vector<1x49152xi32>,
    return
  }
  func.func @transform_0(%arg0: i32) -> (i32, i32) {
    %c0_i32 = arith.constant 0 : i32
    %c0_i32_0 = arith.constant 0 : i32
    return %c0_i32, %arg0 : i32, i32
  }
  func.func @transform_1(%arg0: i32) -> (i32, i32) {
    %c0_i32 = arith.constant 0 : i32
    %c0_i32_0 = arith.constant 0 : i32
    return %c0_i32, %arg0 : i32, i32
  }
  func.func @transform_2(%arg0: i32) -> (i32, i32) {
    %c0_i32 = arith.constant 0 : i32
    %c0_i32_0 = arith.constant 0 : i32
    return %c0_i32, %arg0 : i32, i32
  }
  func.func @transform_3(%arg0: i32) -> (i32, i32) {
    %c0_i32 = arith.constant 0 : i32
    %c0_i32_0 = arith.constant 0 : i32
    return %c0_i32, %arg0 : i32, i32
  }
  func.func @transform_4(%arg0: i32) -> (i32, i32) {
    %c0_i32 = arith.constant 0 : i32
    %c0_i32_0 = arith.constant 0 : i32
    return %c0_i32, %arg0 : i32, i32
  }
  func.func @transform_5(%arg0: i32) -> (i32, i32) {
    %c0_i32 = arith.constant 0 : i32
    %c0_i32_0 = arith.constant 0 : i32
    return %c0_i32, %arg0 : i32, i32
  }
  func.func @transform_6(%arg0: i32) -> (i32, i32) {
    %c0_i32 = arith.constant 0 : i32
    %c0_i32_0 = arith.constant 0 : i32
    return %c0_i32, %arg0 : i32, i32
  }
  func.func @transform_7(%arg0: i32) -> (i32, i32) {
    %c0_i32 = arith.constant 0 : i32
    %c0_i32_0 = arith.constant 0 : i32
    return %c0_i32, %arg0 : i32, i32
  }
  func.func @transform_8(%arg0: i32) -> (i32, i32) {
    %c0_i32 = arith.constant 0 : i32
    %c0_i32_0 = arith.constant 0 : i32
    return %c0_i32, %arg0 : i32, i32
  }
  func.func @transform_9(%arg0: i32) -> (i32, i32) {
    %c0_i32 = arith.constant 0 : i32
    %c0_i32_0 = arith.constant 0 : i32
    return %c0_i32, %arg0 : i32, i32
  }
  func.func @transform_10(%arg0: i32) -> (i32, i32) {
    %c0_i32 = arith.constant 0 : i32
    %c0_i32_0 = arith.constant 0 : i32
    return %c0_i32, %arg0 : i32, i32
  }
  func.func @transform_11(%arg0: i32) -> (i32, i32) {
    %c0_i32 = arith.constant 0 : i32
    %c0_i32_0 = arith.constant 0 : i32
    return %c0_i32, %arg0 : i32, i32
  }
  func.func @transform_12(%arg0: i32) -> (i32, i32) {
    %c0_i32 = arith.constant 0 : i32
    %c0_i32_0 = arith.constant 0 : i32
    return %c0_i32, %arg0 : i32, i32
  }
}

</mosaic_0001>

<sc_bundles>
// kernel: kernel.4.cloned.1.call-start
scs
__scs_entry_jumppad:
0x0: {  	(pc) =	sbr.rel $0x88, $3  }
0x1: {  	(tag) =	ssettag $0x0;
	lr =	simm.s32 $0x1  }
0x2: {  	[smem:$0x3F9A] =	sst lr;
	_ =	strace $0xD0000000  }
0x3: {  	_ = 	snop  }
0x4: {  	_ = 	snop  }
0x5: {  	_ = 	snop  }
0x6: {  	_ = 	snop  }
0x7: {  	_ = 	snop  }
__scs_overlays_trampoline_lowered:
0x8: {  	[smem:$0x3FA9] =	sst s0  }
0x9: {  	[smem:$0x3FAA] =	sst s1  }
0xa: {  	[smem:$0x3FAB] =	sst s2  }
0xb: {  	[smem:$0x3FAC] =	sst s3  }
0xc: {  	[smem:$0x3FAD] =	sst s4  }
0xd: {  	[smem:$0x3FAE] =	sst s5  }
0xe: {  	[smem:$0x3FAF] =	sst s6  }
0xf: {  	[smem:$0x3FB0] =	sst s7  }
0x10: {  	[smem:$0x3FB1] =	sst s8  }
0x11: {  	[smem:$0x3FB2] =	sst s9;
	s0 =	simm.s32 @!p0 $0x0  }
0x12: {  	s1 =	sld [smem:$0x3F98];
	s0 =	simm.s32 @p0 $0x1  }
0x13: {  	[smem:$0x3FB3] =	sst s0;
	s0 =	simm.s32 @!p1 $0x0  }
0x14: {  	s2 =	sld [smem:$0x3F97];
	s0 =	simm.s32 @p1 $0x1  }
0x15: {  	[smem:$0x3FB4] =	sst s0;
	s0 =	simm.s32 @!p2 $0x0  }
0x16: {  	s3 =	sld [smem:$0x3FDB];
	s0 =	simm.s32 @p2 $0x1  }
0x17: {  	s4 =	simm.s32 $0x1BF5;
	[smem:$0x3FB6] =	sst s0  }
0x18: {  	s0 =	sld [smem:$0x3F99];
	_ =	swait.ge [sflag:s4], $0x0  }
0x19: {  	s7 =	sld [smem:$0x3F9A]  }
0x1a: {  	s8 =	sadd.s32 $0xFFFFE003, lr  }
0x1b: {  	s9 =	sadd.s32 $0xFFFFFEF7, lr;
	s5 =	simm.s32 $0xFFFFFFFF;
	p2 =	slt.u32 s8, $0xFFFFF086  }
0x1c: {  	p1 =	slt.u32 s9, $0xF7A;
	s5 =	simm.s32 @!p2 $0x0  }
0x1d: {  	s5 =	simm.s32 @p1 $0x1;
	p0 =	seq.s32 s7, s2  }
0x1e: {  	s7 =	smul.u32 @!p0 $0xF7A, s2;
	p2 =	seq.s32 @!p0 s5, $0x0  }
0x1f: {  	s9 =	smul.u32 $0xF7A, s1;
	s8 =	simm.s32 @!p0 $0x1BF5;
	p2 =	por !p2, p0  }
0x20: {  	[sflag:s8] =	ssyncset.s32 @!p0 $0xFFFFF086;
	s6 =	sadd.s32 @!p0 s3, s7;
	s7 =	simm.s32 @!p0 $0x108  }
0x21: {  	s3 =	sadd.s32 s3, s9;
	s6 =	sadd.s32 @!p0 $0x88, s6;
	s7 =	simm.s32 @p2 $0x1082  }
0x22: {  	[simem:s7], [sflag:s8] =	dma.local @!p0 [hbm:s6], $0xF7A  }
0x23: {  	s9 =	sor.u32 $0xD0000000, s2;
	s6 =	simm.s32 $0x108;
	_ =	swait.ge @!p0 [sflag:s8], $0x0  }
0x24: {  	s3 =	sadd.s32 $0x88, s3;
	s6 =	simm.s32 @!p1 $0x1082;
	[sflag:s4] =	ssyncset.s32 $0xFFFFF086  }
0x25: {  	[simem:s6], [sflag:s4] =	dma.local [hbm:s3], $0xF7A  }
0x26: {  	[smem:$0x3F9A] =	sst s1;
	(tag) =	ssettag s2;
	_ =	strace s9  }
0x27: {  	s1 =	sld [smem:$0x3FAA]  }
0x28: {  	s2 =	sld [smem:$0x3FAB]  }
0x29: {  	s4 =	sld [smem:$0x3FAD]  }
0x2a: {  	p0 =	seq.s32 s5, $0x0;
	s5 =	sld [smem:$0x3FAE]  }
0x2b: {  	s6 =	sld [smem:$0x3FAF]  }
0x2c: {  	s7 =	sld [smem:$0x3FB0]  }
0x2d: {  	s3 =	simm.s32 $0x108;
	s8 =	sld [smem:$0x3FB1]  }
0x2e: {  	s3 =	simm.s32 @!p0 $0x1082;
	s9 =	sld [smem:$0x3FB2]  }
0x2f: {  	lr =	sadd.s32 s0, s3;
	s0 =	sld [smem:$0x3FA9]  }
0x30: {  	s3 =	sld [smem:$0x3FAC]  }
0x31: {  	[smem:$0x3FB5] =	sst s10  }
0x32: {  	s10 =	sld [smem:$0x3FB3];
	_ =	sdelay $0x3  }
0x33: {  	p0 =	seq.s32 s10, $0x1;
	s10 =	sld [smem:$0x3FB5];
	_ =	sdelay $0x3  }
0x34: {  	[smem:$0x3FB5] =	sst s10  }
0x35: {  	s10 =	sld [smem:$0x3FB4];
	_ =	sdelay $0x3  }
0x36: {  	p1 =	seq.s32 s10, $0x1;
	s10 =	sld [smem:$0x3FB5];
	_ =	sdelay $0x3  }
0x37: {  	[smem:$0x3FB5] =	sst s10  }
0x38: {  	s10 =	sld [smem:$0x3FB6]  }
0x39: {  	_ = 	snop;
	(pc) =	sbr.ind lr, $3  }
0x3a: {  	_ = 	snop  }
0x3b: {  	_ = 	snop  }
0x3c: {  	p2 =	seq.s32 s10, $0x1;
	s10 =	sld [smem:$0x3FB5]  }
0x3d: {  	_ =	shalt  }
0x3e: {  	_ =	shalt  }
0x3f: {  	_ =	shalt  }
0x40: {  	_ =	shalt  }
0x41: {  	_ =	shalt  }
0x42: {  	_ =	shalt  }
0x43: {  	_ =	shalt  }
0x44: {  	_ =	shalt  }
0x45: {  	_ =	shalt  }
0x46: {  	_ =	shalt  }
0x47: {  	_ =	shalt  }
0x48: {  	_ =	shalt  }
0x49: {  	_ =	shalt  }
0x4a: {  	_ =	shalt  }
0x4b: {  	_ =	shalt  }
0x4c: {  	_ =	shalt  }
0x4d: {  	_ =	shalt  }
0x4e: {  	_ =	shalt  }
0x4f: {  	_ =	shalt  }
0x50: {  	_ =	shalt  }
0x51: {  	_ =	shalt  }
0x52: {  	_ =	shalt  }
0x53: {  	_ =	shalt  }
0x54: {  	_ =	shalt  }
0x55: {  	_ =	shalt  }
0x56: {  	_ =	shalt  }
0x57: {  	_ =	shalt  }
0x58: {  	_ =	shalt  }
0x59: {  	_ =	shalt  }
0x5a: {  	_ =	shalt  }
0x5b: {  	_ =	shalt  }
0x5c: {  	_ =	shalt  }
0x5d: {  	_ =	shalt  }
0x5e: {  	_ =	shalt  }
0x5f: {  	_ =	shalt  }
0x60: {  	_ =	shalt  }
0x61: {  	_ =	shalt  }
0x62: {  	_ =	shalt  }
0x63: {  	_ =	shalt  }
0x64: {  	_ =	shalt  }
0x65: {  	_ =	shalt  }
0x66: {  	_ =	shalt  }
0x67: {  	_ =	shalt  }
0x68: {  	_ =	shalt  }
0x69: {  	_ =	shalt  }
0x6a: {  	_ =	shalt  }
0x6b: {  	_ =	shalt  }
0x6c: {  	_ =	shalt  }
0x6d: {  	_ =	shalt  }
0x6e: {  	_ =	shalt  }
0x6f: {  	_ =	shalt  }
0x70: {  	_ =	shalt  }
0x71: {  	_ =	shalt  }
0x72: {  	_ =	shalt  }
0x73: {  	_ =	shalt  }
0x74: {  	_ =	shalt  }
0x75: {  	_ =	shalt  }
0x76: {  	_ =	shalt  }
0x77: {  	_ =	shalt  }
0x78: {  	_ =	shalt  }
0x79: {  	_ =	shalt  }
0x7a: {  	_ =	shalt  }
0x7b: {  	_ =	shalt  }
0x7c: {  	_ =	shalt  }
0x7d: {  	_ =	shalt  }
0x7e: {  	_ =	shalt  }
0x7f: {  	_ =	shalt  }
0x80: {  	_ =	shalt  }
0x81: {  	_ =	shalt  }
0x82: {  	_ =	shalt  }
0x83: {  	_ =	shalt  }
0x84: {  	_ =	shalt  }
0x85: {  	_ =	shalt  }
0x86: {  	_ =	shalt  }
0x87: {  	_ =	shalt  }
.Lfunc_end0:
.L_simem_size_0:
called_computation_lowered:
.L_overlay_start_0:
0x88: {  	s2 =	sld [smem:$0x3FD9]  }
0x89: {  	s3 =	sld [smem:$0x3FFE];
	_ =	sdelay $0x1  }
0x8a: {  	s1 =	srdreg.scid  }
0x8b: {  	s0 =	sand.u32 $0x1, s1  }
0x8c: {  	s15 =	sshll.u32 s0, $0xA;
	s2 =	sadd.s32 s3, s2  }
0x8d: {  	s2 =	sadd.s32 s2, s15  }
0x8e: {  	[smem:$0x3FC1] =	sst s2  }
0x8f: {  	_ = 	snop  }
0x90: {  	s2 =	sld [smem:$0x3FD0];
	_ =	sdelay $0x2  }
0x91: {  	s16 =	simm.s32 $0xA;
	s4 =	simm.s32 $0x10  }
0x92: {  	[smem:s4], [sflag:s16] =	dma.local [hbm:s2], $0x1  }
0x93: {  	_ =	swait.eq [sflag:s16], $0x1  }
0x94: {  	s17 =	sld [smem:$0x12];
	[sflag:s16] =	ssyncset.done $0x0  }
0x95: {  	s18 =	sld [smem:$0x14];
	[sflag:s16] =	ssyncadd.s32 $0xFFFFFFFF  }
0x96: {  	s19 =	sld [smem:$0x15];
	(tm) =	ssettm $0x1  }
0x97: {  	s5 =	sld [smem:$0x3FFB];
	_ =	sdelay $0x3  }
0x98: {  	_ =	strace s5  }
0x99: {  	s5 =	sld [smem:$0x3FFC];
	_ =	sdelay $0x3  }
0x9a: {  	_ =	strace s5  }
0x9b: {  	s5 =	sld [smem:$0x3FFD];
	_ =	sdelay $0x3  }
0x9c: {  	_ =	strace s5  }
0x9d: {  	_ =	strace $0x8FFFFFFF  }
0x9e: {  	s20 =	sld [smem:$0x3FDB];
	_ =	sdelay $0x1  }
0x9f: {  	s6 =	simm.s32 $_scs_section_size  }
0xa0: {  	s7 =	simm.s32 $_size__tile_overlayer_lowered;
	s8 =	simm.s32 $_tile_overlayer_lowered  }
0xa1: {  	s23 =	simm.s32 $0x1BFF;
	s22 =	sshll.u32 s8, $0x1;
	s5 =	sadd.s32 s6, s20  }
0xa2: {  	s9 =	simm.s32 $0x0;
	s21 =	sshll.u32 s7, $0x1;
	s7 =	sadd.s32 s22, s5  }
0xa3: {  	[timem:s9], [sflag:s23] =	dma.local [hbm:s7], s21  }
0xa4: {  	_ =	swait.ge [sflag:s23], s21  }
0xa5: {  	s6 =	ssub.s32 $0x0, s21;
	[sflag:s23] =	ssyncset.done $0x0  }
0xa6: {  	[sflag:s23] =	ssyncadd.s32 s6;
	_ =	sdelay $0x1  }
0xa7: {  	s24 =	simm.s32 $0x1B8B  }
0xa8: {  	_ =	swait.ge [sflag:s24], $0x1  }
0xa9: {  	[sflag:s24] =	ssyncset.done $0x0  }
0xaa: {  	s25 =	simm.s32 $0x1B8E;
	[sflag:s24] =	ssyncadd.s32 $0xFFFFFFFF  }
0xab: {  	s26 =	simm.s32 $execute0_lowered;
	[smem:$0x3FD2] =	sst s25  }
0xac: {  	s6 =	sshll.u32 s26, $0x1;
	_ =	strace $0x80000046;
	[dreg:$0x1] =	wrdreg $0xFFFFFFFF  }
0xad: {  	s28 =	simm.s32 $_size_execute0_lowered;
	s5 =	sadd.s32 s5, s6;
	[dreg:$0x0] =	wrdreg $0x0  }
0xae: {  	s6 =	sshll.u32 s28, $0x1;
	[dreg:$0x2] =	wrdreg s5  }
0xaf: {  	[dreg:$0x3] =	wrdreg s6  }
0xb0: {  	[dreg:$0x4] =	wrdreg $0xC0  }
0xb1: {  	_ =	task [dreg:s9], $0x5FFFF  }
0xb2: {  	[dreg:$0x1] =	wrdreg $0xFFFFFFFF  }
0xb3: {  	[dreg:$0x0] =	wrdreg $0x60  }
0xb4: {  	[dreg:$0x2] =	wrdreg s19  }
0xb5: {  	[dreg:$0x3] =	wrdreg s18  }
0xb6: {  	[dreg:$0x4] =	wrdreg s17  }
0xb7: {  	[dreg:$0x5] =	wrdreg $0x9B800  }
0xb8: {  	[dreg:$0x6] =	wrdreg $0x9  }
0xb9: {  	_ =	task.clear_ibuf [dreg:s9], $0x7FFFF;
	_ =	strace $0x90000046  }
0xba: {  	s29 =	simm.s32 $0x9;
	_ =	strace $0x80000048  }
0xbb: {  	_ =	swait.ge [sflag:s29], $0x1  }
0xbc: {  	[sflag:s29] =	ssyncadd.s32 $0xFFFFFFFF  }
0xbd: {  	_ =	strace $0x90000048  }
0xbe: {  	_ =	sfence  }
0xbf: {  	s30 =	sld [smem:$0x0];
	_ =	sdelay $0x2  }
0xc0: {  	s31 =	sshll.u32 s1, $0xD;
	s1 =	sshrl.u32 s1, $0x2  }
0xc1: {  	s3 =	sand.u32 $0x4000, s31;
	s1 =	sadd.s32 s1, s30  }
0xc2: {  	s0 =	sor.u32 s3, s0;
	s1 =	sshll.u32 s1, $0x11  }
0xc3: {  	s0 =	sor.u32 s1, s0  }
0xc4: {  	s0 =	sadd.s32 $0x8F2B, s0  }
0xc5: {  	[sflag:s0] =	ssyncadd.remote.s32 $0x1  }
0xc6: {  	_ =	sfence.sel $0xFFFF  }
0xc7: {  	[dreg:$0x0] =	wrdreg $0xFFFFFFFF;
	(pc) =	sbr.abs _section_cstart, $3  }
0xc8: {  	[dreg:$0x1] =	wrdreg $0xFFFFFFFF  }
0xc9: {  	_ =	task.clear_ibuf [dreg:s9], $0x2FFFF;
	_ =	strace $0x9FFFFFFF  }
0xca: {  	(tm) =	ssettm $0x7FFFFFFF  }
0xcb: {  	_ =	shalt  }
tec
execute0_lowered:
.L_overlay_start_1:
0x0: {  	(tag) =	ssettag $0x1  }
0x1: {  	s5 =	rddreg [dreg:$0x0]  }
0x2: {  	s0 =	rddreg [dreg:$0x1]  }
0x3: {  	s6 =	rddreg [dreg:$0x2]  }
0x4: {  	s3 =	rddreg [dreg:$0x3]  }
0x5: {  	s2 =	simm.s32 $0x0;
	[dreg:$0x5] =	wrdreg s0  }
0x6: {  	s23 =	simm.s32 $0x1080;
	[smem:$0x7FF] =	sst s2  }
0x7: {  	s24 =	simm.s32 $0x1100;
	_ =	strace $0x80000047;
	[dreg:$0x10] =	wrdreg s23  }
0x8: {  	s9 =	srdreg.scid;
	s25 =	simm.s32 $0x1180;
	[dreg:$0x11] =	wrdreg s24  }
0x9: {  	s26 =	simm.s32 $0x1200;
	s31 =	simm.s32 $0x1280;
	[dreg:$0x12] =	wrdreg s25  }
0xa: {  	s1 =	simm.s32 $0x1300;
	s11 =	simm.s32 $0x1600;
	[dreg:$0x13] =	wrdreg s26  }
0xb: {  	s12 =	simm.s32 $0x1680;
	s0 =	stileid.u32;
	[dreg:$0x14] =	wrdreg s31  }
0xc: {  	s29 =	sand.u32 $0x1, s9;
	s7 =	smul.u32 $0x7A10, s0;
	[dreg:$0x15] =	wrdreg s1  }
0xd: {  	s9 =	smul.u32 $0x7A120, s29;
	s19 =	sshll.u32 s0, $0x9;
	[dreg:$0x1b] =	wrdreg s11  }
0xe: {  	s10 =	sshll.u32 s29, $0xD;
	[dreg:$0x1c] =	wrdreg s12;
	s5 =	sadd.s32 s5, s19  }
0xf: {  	s4 =	sadd.s32 s7, s3;
	s7 =	sadd.s32 s7, s9;
	s5 =	sadd.s32 s10, s5  }
0x10: {  	s20 =	sshrl.u32 s9, $0x3;
	s9 =	simm.s32 $0x1500;
	[dreg:$0xd] =	wrdreg s5  }
0x11: {  	s10 =	simm.s32 $0x1580;
	[dreg:$0x19] =	wrdreg s9  }
0x12: {  	s8 =	sadd.s32 $0x1000, s4;
	[dreg:$0x1a] =	wrdreg s10  }
0x13: {  	s13 =	sadd.s32 $0x2000, s4;
	[dreg:$0x6] =	wrdreg s8  }
0x14: {  	s14 =	sadd.s32 $0x3000, s4;
	[dreg:$0x7] =	wrdreg s13  }
0x15: {  	s15 =	sadd.s32 $0x4000, s4;
	[dreg:$0x8] =	wrdreg s14  }
0x16: {  	s16 =	sadd.s32 $0x5000, s4;
	[dreg:$0x9] =	wrdreg s15  }
0x17: {  	s17 =	sadd.s32 $0x6000, s4;
	[dreg:$0xa] =	wrdreg s16  }
0x18: {  	s18 =	sadd.s32 $0x7000, s4;
	[dreg:$0xb] =	wrdreg s17  }
0x19: {  	s7 =	sshrl.u32 s7, $0x3;
	[dreg:$0xc] =	wrdreg s18  }
0x1a: {  	s21 =	sadd.s32 s6, s7;
	s17 =	rddreg [dreg:$0x5]  }
0x1b: {  	s7 =	simm.s32 $0x1400;
	[dreg:$0xe] =	wrdreg s21  }
0x1c: {  	s8 =	simm.s32 $0x1480;
	[dreg:$0x17] =	wrdreg s7  }
0x1d: {  	s13 =	simm.s32 $0x1700;
	[dreg:$0x18] =	wrdreg s8  }
0x1e: {  	s14 =	simm.s32 $0x1780;
	[dreg:$0x1d] =	wrdreg s13  }
0x1f: {  	s15 =	simm.s32 $0x1800;
	[dreg:$0x1e] =	wrdreg s14  }
0x20: {  	s16 =	simm.s32 $0x1880;
	[dreg:$0x1f] =	wrdreg s15  }
0x21: {  	s6 =	sadd.s32 s6, s20;
	s18 =	simm.s32 $0x1900;
	[smem:$0x7FC] =	sst s16  }
0x22: {  	s22 =	sadd.s32 $0xF420, s6;
	[smem:$0x7FD] =	sst s18  }
0x23: {  	[tilespmem:s2], [sflag:$0x3] =	stream.linear.gather [hbm4b:s17+s2], $0x1000, $0x38;
	[tilespmem:$0x11598] =	vst v63  }
0x24: {  	s6 =	simm.s32 $0x1380;
	[dreg:$0xf] =	wrdreg s22  }
0x25: {  	s5 =	simm.s32 $0x3;
	[dreg:$0x16] =	wrdreg s6  }
0x26: {  	_ =	swait.ge [sflag:s5], $0x1000  }
0x27: {  	[sflag:s5] =	ssyncset.done $0x0  }
0x28: {  	[sflag:s5] =	ssyncadd.s32 $0xFFFFF000  }
0x29: {  	[spmem:s4] =	stream.linear.scatter [tilespmem:s2], [sflag:$0x1], $0x1000, $0x38;
	[tilespmem:$0x11598] =	vst v63  }
0x2a: {  	s19 =	rddreg [dreg:$0x6]  }
0x2b: {  	[spmem:s19] =	stream.linear.scatter [tilespmem:s2], [sflag:$0x1], $0x1000, $0x38;
	[tilespmem:$0x11598] =	vst v63  }
0x2c: {  	s20 =	rddreg [dreg:$0x7]  }
0x2d: {  	[spmem:s20] =	stream.linear.scatter [tilespmem:s2], [sflag:$0x1], $0x1000, $0x38;
	[tilespmem:$0x11598] =	vst v63  }
0x2e: {  	s21 =	rddreg [dreg:$0x8]  }
0x2f: {  	[spmem:s21] =	stream.linear.scatter [tilespmem:s2], [sflag:$0x1], $0x1000, $0x38;
	[tilespmem:$0x11598] =	vst v63  }
0x30: {  	s22 =	rddreg [dreg:$0x9]  }
0x31: {  	[spmem:s22] =	stream.linear.scatter [tilespmem:s2], [sflag:$0x1], $0x1000, $0x38;
	[tilespmem:$0x11598] =	vst v63  }
0x32: {  	s23 =	rddreg [dreg:$0xa]  }
0x33: {  	[spmem:s23] =	stream.linear.scatter [tilespmem:s2], [sflag:$0x1], $0x1000, $0x38;
	[tilespmem:$0x11598] =	vst v63  }
0x34: {  	s24 =	rddreg [dreg:$0xb]  }
0x35: {  	[spmem:s24] =	stream.linear.scatter [tilespmem:s2], [sflag:$0x1], $0x1000, $0x38;
	[tilespmem:$0x11598] =	vst v63  }
0x36: {  	p0 =	sne.s32 s0, $0xF;
	s25 =	rddreg [dreg:$0xc]  }
0x37: {  	[spmem:s25] =	stream.linear.scatter [tilespmem:s2], [sflag:$0x1], $0xA10, $0x38;
	[tilespmem:$0x11598] =	vst v63  }
0x38: {  	s7 =	sadd.s32 $0x7A100, s3;
	s8 =	simm.s32 @!p0 $0x1;
	s6 =	simm.s32 @!p0 $0x0  }
0x39: {  	[spmem:s7] =	stream.linear.scatter @!p0 [tilespmem:s6], [sflag:$0x1], $0x20, $0x38;
	[tilespmem:$0x11598] =	vst v63  }
0x3a: {  	_ =	swait.ge @!p0 [sflag:s8], $0x20  }
0x3b: {  	[sflag:s8] =	ssyncset.done @!p0 $0x0  }
0x3c: {  	s9 =	simm.s32 $0x1000;
	s26 =	rddreg [dreg:$0xd];
	[sflag:s8] =	ssyncadd.s32 @!p0 $0xFFFFFFE0  }
0x3d: {  	[tilespmem:s9], [sflag:$0x3] =	stream.linear.gather [hbm4b:s26+s2], $0x1000, $0x38;
	[tilespmem:$0x11598] =	vst v63  }
0x3e: {  	_ =	swait.ge [sflag:s5], $0x1000  }
0x3f: {  	[sflag:s5] =	ssyncset.done $0x0  }
0x40: {  	v0 =	vimm.s32 $0x7A120;
	[sflag:s5] =	ssyncadd.s32 $0xFFFFF000  }
0x41: {  	v1 =	vimm.s32 $0x1;
	[tilespmem:$0x20F0] =	vst v0  }
0x42: {  	[tilespmem:$0x2070] =	vst v1  }
0x43: {  	[tilespmem:$0x20E0] =	vst v0  }
0x44: {  	[tilespmem:$0x2060] =	vst v1  }
0x45: {  	[tilespmem:$0x20D0] =	vst v0  }
0x46: {  	[tilespmem:$0x2050] =	vst v1  }
0x47: {  	[tilespmem:$0x20C0] =	vst v0  }
0x48: {  	[tilespmem:$0x2040] =	vst v1  }
0x49: {  	[tilespmem:$0x20B0] =	vst v0  }
0x4a: {  	[tilespmem:$0x2030] =	vst v1  }
0x4b: {  	[tilespmem:$0x20A0] =	vst v0  }
0x4c: {  	[tilespmem:$0x2020] =	vst v1  }
0x4d: {  	[tilespmem:$0x2090] =	vst v0  }
0x4e: {  	[tilespmem:$0x2010] =	vst v1  }
0x4f: {  	[tilespmem:$0x2000] =	vst v1  }
0x50: {  	s10 =	simm.s32 $0x1;
	[tilespmem:$0x2080] =	vst v0  }
0x51: {  	_ =	swait.ge [sflag:s10], $0x1000  }
0x52: {  	[sflag:s10] =	ssyncset.done $0x0  }
0x53: {  	[sflag:s10] =	ssyncadd.s32 $0xFFFFF000  }
0x54: {  	_ =	swait.ge [sflag:s10], $0x1000  }
0x55: {  	[sflag:s10] =	ssyncset.done $0x0  }
0x56: {  	[sflag:s10] =	ssyncadd.s32 $0xFFFFF000  }
0x57: {  	_ =	swait.ge [sflag:s10], $0x1000  }
0x58: {  	[sflag:s10] =	ssyncset.done $0x0  }
0x59: {  	[sflag:s10] =	ssyncadd.s32 $0xFFFFF000  }
0x5a: {  	_ =	swait.ge [sflag:s10], $0x1000  }
0x5b: {  	[sflag:s10] =	ssyncset.done $0x0  }
0x5c: {  	[sflag:s10] =	ssyncadd.s32 $0xFFFFF000  }
0x5d: {  	_ =	swait.ge [sflag:s10], $0x1000  }
0x5e: {  	[sflag:s10] =	ssyncset.done $0x0  }
0x5f: {  	[sflag:s10] =	ssyncadd.s32 $0xFFFFF000  }
0x60: {  	_ =	swait.ge [sflag:s10], $0x1000  }
0x61: {  	[sflag:s10] =	ssyncset.done $0x0  }
0x62: {  	[sflag:s10] =	ssyncadd.s32 $0xFFFFF000  }
0x63: {  	_ =	swait.ge [sflag:s10], $0x1000  }
0x64: {  	[sflag:s10] =	ssyncset.done $0x0  }
0x65: {  	[sflag:s10] =	ssyncadd.s32 $0xFFFFF000  }
0x66: {  	_ =	swait.ge [sflag:s10], $0xA10  }
0x67: {  	[sflag:s10] =	ssyncset.done $0x0  }
0x68: {  	[sflag:s10] =	ssyncadd.s32 $0xFFFFF5F0  }
0x69: {  	[bflag:$0x0] =	sbarrier.arrive $0xFFFF  }
0x6a: {  	s11 =	simm.s32 $0x80;
	s12 =	simm.s32 $0x2000;
	s13 =	rddreg [dreg:$0x10]  }
0x6b: {  	[spmem:s3] =	stream.indirect.scatter.add.s32 [tilespmem:s12], [sflag:$0x2], $0x1, s9, s11, $0xb8;
	[tilespmem:$0x11598] =	vst v63  }
0x6c: {  	s14 =	rddreg [dreg:$0x11]  }
0x6d: {  	[spmem:s3] =	stream.indirect.scatter.add.s32 [tilespmem:s12], [sflag:$0x2], $0x1, s13, s11, $0xb8;
	[tilespmem:$0x11598] =	vst v63  }
0x6e: {  	s31 =	rddreg [dreg:$0x12]  }
0x6f: {  	[spmem:s3] =	stream.indirect.scatter.add.s32 [tilespmem:s12], [sflag:$0x2], $0x1, s14, s11, $0xb8;
	[tilespmem:$0x11598] =	vst v63  }
0x70: {  	s0 =	rddreg [dreg:$0x13]  }
0x71: {  	[spmem:s3] =	stream.indirect.scatter.add.s32 [tilespmem:s12], [sflag:$0x2], $0x1, s31, s11, $0xb8;
	[tilespmem:$0x11598] =	vst v63  }
0x72: {  	s1 =	rddreg [dreg:$0x14]  }
0x73: {  	[spmem:s3] =	stream.indirect.scatter.add.s32 [tilespmem:s12], [sflag:$0x2], $0x1, s0, s11, $0xb8;
	[tilespmem:$0x11598] =	vst v63  }
0x74: {  	s15 =	rddreg [dreg:$0x15]  }
0x75: {  	[spmem:s3] =	stream.indirect.scatter.add.s32 [tilespmem:s12], [sflag:$0x2], $0x1, s1, s11, $0xb8;
	[tilespmem:$0x11598] =	vst v63  }
0x76: {  	s16 =	rddreg [dreg:$0x16]  }
0x77: {  	[spmem:s3] =	stream.indirect.scatter.add.s32 [tilespmem:s12], [sflag:$0x2], $0x1, s15, s11, $0xb8;
	[tilespmem:$0x11598] =	vst v63  }
0x78: {  	s17 =	rddreg [dreg:$0x17]  }
0x79: {  	[spmem:s3] =	stream.indirect.scatter.add.s32 [tilespmem:s12], [sflag:$0x2], $0x1, s16, s11, $0xb8;
	[tilespmem:$0x11598] =	vst v63  }
0x7a: {  	s18 =	rddreg [dreg:$0x18]  }
0x7b: {  	[spmem:s3] =	stream.indirect.scatter.add.s32 [tilespmem:s12], [sflag:$0x2], $0x1, s17, s11, $0xb8;
	[tilespmem:$0x11598] =	vst v63  }
0x7c: {  	s19 =	rddreg [dreg:$0x19]  }
0x7d: {  	[spmem:s3] =	stream.indirect.scatter.add.s32 [tilespmem:s12], [sflag:$0x2], $0x1, s18, s11, $0xb8;
	[tilespmem:$0x11598] =	vst v63  }
0x7e: {  	s20 =	rddreg [dreg:$0x1a]  }
0x7f: {  	[spmem:s3] =	stream.indirect.scatter.add.s32 [tilespmem:s12], [sflag:$0x2], $0x1, s19, s11, $0xb8;
	[tilespmem:$0x11598] =	vst v63  }
0x80: {  	s21 =	rddreg [dreg:$0x1b]  }
0x81: {  	[spmem:s3] =	stream.indirect.scatter.add.s32 [tilespmem:s12], [sflag:$0x2], $0x1, s20, s11, $0xb8;
	[tilespmem:$0x11598] =	vst v63  }
0x82: {  	s22 =	rddreg [dreg:$0x1c]  }
0x83: {  	[spmem:s3] =	stream.indirect.scatter.add.s32 [tilespmem:s12], [sflag:$0x2], $0x1, s21, s11, $0xb8;
	[tilespmem:$0x11598] =	vst v63  }
0x84: {  	s23 =	rddreg [dreg:$0x1d]  }
0x85: {  	[spmem:s3] =	stream.indirect.scatter.add.s32 [tilespmem:s12], [sflag:$0x2], $0x1, s22, s11, $0xb8;
	[tilespmem:$0x11598] =	vst v63  }
0x86: {  	s24 =	rddreg [dreg:$0x1e]  }
0x87: {  	[spmem:s3] =	stream.indirect.scatter.add.s32 [tilespmem:s12], [sflag:$0x2], $0x1, s23, s11, $0xb8;
	[tilespmem:$0x11598] =	vst v63  }
0x88: {  	s25 =	rddreg [dreg:$0x1f]  }
0x89: {  	[spmem:s3] =	stream.indirect.scatter.add.s32 [tilespmem:s12], [sflag:$0x2], $0x1, s24, s11, $0xb8;
	[tilespmem:$0x11598] =	vst v63  }
0x8a: {  	s26 =	sld [smem:$0x7FC]  }
0x8b: {  	[spmem:s3] =	stream.indirect.scatter.add.s32 [tilespmem:s12], [sflag:$0x2], $0x1, s25, s11, $0xb8;
	[tilespmem:$0x11598] =	vst v63  }
0x8c: {  	s31 =	sld [smem:$0x7FD]  }
0x8d: {  	[spmem:s3] =	stream.indirect.scatter.add.s32 [tilespmem:s12], [sflag:$0x2], $0x1, s26, s11, $0xb8;
	[tilespmem:$0x11598] =	vst v63  }
0x8e: {  	_ = 	snop  }
0x8f: {  	[spmem:s3] =	stream.indirect.scatter.add.s32 [tilespmem:s12], [sflag:$0x2], $0x1, s31, s11, $0xb8;
	[tilespmem:$0x11598] =	vst v63  }
0x90: {  	s13 =	simm.s32 $0x1980  }
0x91: {  	[spmem:s3] =	stream.indirect.scatter.add.s32 [tilespmem:s12], [sflag:$0x2], $0x1, s13, s11, $0xb8;
	[tilespmem:$0x11598] =	vst v63  }
0x92: {  	s14 =	simm.s32 $0x1A00  }
0x93: {  	[spmem:s3] =	stream.indirect.scatter.add.s32 [tilespmem:s12], [sflag:$0x2], $0x1, s14, s11, $0xb8;
	[tilespmem:$0x11598] =	vst v63  }
0x94: {  	s15 =	simm.s32 $0x1A80  }
0x95: {  	[spmem:s3] =	stream.indirect.scatter.add.s32 [tilespmem:s12], [sflag:$0x2], $0x1, s15, s11, $0xb8;
	[tilespmem:$0x11598] =	vst v63  }
0x96: {  	s16 =	simm.s32 $0x1B00  }
0x97: {  	[spmem:s3] =	stream.indirect.scatter.add.s32 [tilespmem:s12], [sflag:$0x2], $0x1, s16, s11, $0xb8;
	[tilespmem:$0x11598] =	vst v63  }
0x98: {  	s17 =	simm.s32 $0x1B80  }
0x99: {  	[spmem:s3] =	stream.indirect.scatter.add.s32 [tilespmem:s12], [sflag:$0x2], $0x1, s17, s11, $0xb8;
	[tilespmem:$0x11598] =	vst v63  }
0x9a: {  	s18 =	simm.s32 $0x1C00  }
0x9b: {  	[spmem:s3] =	stream.indirect.scatter.add.s32 [tilespmem:s12], [sflag:$0x2], $0x1, s18, s11, $0xb8;
	[tilespmem:$0x11598] =	vst v63  }
0x9c: {  	s19 =	simm.s32 $0x1C80  }
0x9d: {  	[spmem:s3] =	stream.indirect.scatter.add.s32 [tilespmem:s12], [sflag:$0x2], $0x1, s19, s11, $0xb8;
	[tilespmem:$0x11598] =	vst v63  }
0x9e: {  	s20 =	simm.s32 $0x1D00  }
0x9f: {  	[spmem:s3] =	stream.indirect.scatter.add.s32 [tilespmem:s12], [sflag:$0x2], $0x1, s20, s11, $0xb8;
	[tilespmem:$0x11598] =	vst v63  }
0xa0: {  	s21 =	simm.s32 $0x1D80  }
0xa1: {  	[spmem:s3] =	stream.indirect.scatter.add.s32 [tilespmem:s12], [sflag:$0x2], $0x1, s21, s11, $0xb8;
	[tilespmem:$0x11598] =	vst v63  }
0xa2: {  	s22 =	simm.s32 $0x1E00  }
0xa3: {  	[spmem:s3] =	stream.indirect.scatter.add.s32 [tilespmem:s12], [sflag:$0x2], $0x1, s22, s11, $0xb8;
	[tilespmem:$0x11598] =	vst v63  }
0xa4: {  	s23 =	simm.s32 $0x1E80  }
0xa5: {  	[spmem:s3] =	stream.indirect.scatter.add.s32 [tilespmem:s12], [sflag:$0x2], $0x1, s23, s11, $0xb8;
	[tilespmem:$0x11598] =	vst v63  }
0xa6: {  	s24 =	simm.s32 $0x1F00  }
0xa7: {  	[spmem:s3] =	stream.indirect.scatter.add.s32 [tilespmem:s12], [sflag:$0x2], $0x1, s24, s11, $0xb8;
	[tilespmem:$0x11598] =	vst v63  }
0xa8: {  	s25 =	simm.s32 $0x1F80  }
0xa9: {  	[spmem:s3] =	stream.indirect.scatter.add.s32 [tilespmem:s12], [sflag:$0x2], $0x1, s25, s11, $0xb8;
	[tilespmem:$0x11598] =	vst v63  }
0xaa: {  	s28 =	simm.s32 $0x2;
	s26 =	simm.s32 $0x2080  }
0xab: {  	[spmem:s3] =	stream.indirect.scatter.add.s32 [tilespmem:s12], [sflag:$0x2], $0x1, s26, s11, $0xb8;
	[tilespmem:$0x11598] =	vst v63  }
0xac: {  	_ =	swait.ge [sflag:s28], $0x80  }
0xad: {  	[sflag:s28] =	ssyncset.done $0x0  }
0xae: {  	[sflag:s28] =	ssyncadd.s32 $0xFFFFFF80  }
0xaf: {  	_ =	swait.ge [sflag:s28], $0x80  }
0xb0: {  	[sflag:s28] =	ssyncset.done $0x0  }
0xb1: {  	[sflag:s28] =	ssyncadd.s32 $0xFFFFFF80  }
0xb2: {  	_ =	swait.ge [sflag:s28], $0x80  }
0xb3: {  	[sflag:s28] =	ssyncset.done $0x0  }
0xb4: {  	[sflag:s28] =	ssyncadd.s32 $0xFFFFFF80  }
0xb5: {  	_ =	swait.ge [sflag:s28], $0x80  }
0xb6: {  	[sflag:s28] =	ssyncset.done $0x0  }
0xb7: {  	[sflag:s28] =	ssyncadd.s32 $0xFFFFFF80  }
0xb8: {  	_ =	swait.ge [sflag:s28], $0x80  }
0xb9: {  	[sflag:s28] =	ssyncset.done $0x0  }
0xba: {  	[sflag:s28] =	ssyncadd.s32 $0xFFFFFF80  }
0xbb: {  	_ =	swait.ge [sflag:s28], $0x80  }
0xbc: {  	[sflag:s28] =	ssyncset.done $0x0  }
0xbd: {  	[sflag:s28] =	ssyncadd.s32 $0xFFFFFF80  }
0xbe: {  	_ =	swait.ge [sflag:s28], $0x80  }
0xbf: {  	[sflag:s28] =	ssyncset.done $0x0  }
0xc0: {  	[sflag:s28] =	ssyncadd.s32 $0xFFFFFF80  }
0xc1: {  	_ =	swait.ge [sflag:s28], $0x80  }
0xc2: {  	[sflag:s28] =	ssyncset.done $0x0  }
0xc3: {  	[sflag:s28] =	ssyncadd.s32 $0xFFFFFF80  }
0xc4: {  	_ =	swait.ge [sflag:s28], $0x80  }
0xc5: {  	[sflag:s28] =	ssyncset.done $0x0  }
0xc6: {  	[sflag:s28] =	ssyncadd.s32 $0xFFFFFF80  }
0xc7: {  	_ =	swait.ge [sflag:s28], $0x80  }
0xc8: {  	[sflag:s28] =	ssyncset.done $0x0  }
0xc9: {  	[sflag:s28] =	ssyncadd.s32 $0xFFFFFF80  }
0xca: {  	_ =	swait.ge [sflag:s28], $0x80  }
0xcb: {  	[sflag:s28] =	ssyncset.done $0x0  }
0xcc: {  	[sflag:s28] =	ssyncadd.s32 $0xFFFFFF80  }
0xcd: {  	_ =	swait.ge [sflag:s28], $0x80  }
0xce: {  	[sflag:s28] =	ssyncset.done $0x0  }
0xcf: {  	[sflag:s28] =	ssyncadd.s32 $0xFFFFFF80  }
0xd0: {  	_ =	swait.ge [sflag:s28], $0x80  }
0xd1: {  	[sflag:s28] =	ssyncset.done $0x0  }
0xd2: {  	[sflag:s28] =	ssyncadd.s32 $0xFFFFFF80  }
0xd3: {  	_ =	swait.ge [sflag:s28], $0x80  }
0xd4: {  	[sflag:s28] =	ssyncset.done $0x0  }
0xd5: {  	[sflag:s28] =	ssyncadd.s32 $0xFFFFFF80  }
0xd6: {  	_ =	swait.ge [sflag:s28], $0x80  }
0xd7: {  	[sflag:s28] =	ssyncset.done $0x0  }
0xd8: {  	[sflag:s28] =	ssyncadd.s32 $0xFFFFFF80  }
0xd9: {  	_ =	swait.ge [sflag:s28], $0x80  }
0xda: {  	[sflag:s28] =	ssyncset.done $0x0  }
0xdb: {  	[sflag:s28] =	ssyncadd.s32 $0xFFFFFF80  }
0xdc: {  	_ =	swait.ge [sflag:s28], $0x80  }
0xdd: {  	[sflag:s28] =	ssyncset.done $0x0  }
0xde: {  	[sflag:s28] =	ssyncadd.s32 $0xFFFFFF80  }
0xdf: {  	_ =	swait.ge [sflag:s28], $0x80  }
0xe0: {  	[sflag:s28] =	ssyncset.done $0x0  }
0xe1: {  	[sflag:s28] =	ssyncadd.s32 $0xFFFFFF80  }
0xe2: {  	_ =	swait.ge [sflag:s28], $0x80  }
0xe3: {  	[sflag:s28] =	ssyncset.done $0x0  }
0xe4: {  	[sflag:s28] =	ssyncadd.s32 $0xFFFFFF80  }
0xe5: {  	_ =	swait.ge [sflag:s28], $0x80  }
0xe6: {  	[sflag:s28] =	ssyncset.done $0x0  }
0xe7: {  	[sflag:s28] =	ssyncadd.s32 $0xFFFFFF80  }
0xe8: {  	_ =	swait.ge [sflag:s28], $0x80  }
0xe9: {  	[sflag:s28] =	ssyncset.done $0x0  }
0xea: {  	[sflag:s28] =	ssyncadd.s32 $0xFFFFFF80  }
0xeb: {  	_ =	swait.ge [sflag:s28], $0x80  }
0xec: {  	[sflag:s28] =	ssyncset.done $0x0  }
0xed: {  	[sflag:s28] =	ssyncadd.s32 $0xFFFFFF80  }
0xee: {  	_ =	swait.ge [sflag:s28], $0x80  }
0xef: {  	[sflag:s28] =	ssyncset.done $0x0  }
0xf0: {  	[sflag:s28] =	ssyncadd.s32 $0xFFFFFF80  }
0xf1: {  	_ =	swait.ge [sflag:s28], $0x80  }
0xf2: {  	[sflag:s28] =	ssyncset.done $0x0  }
0xf3: {  	[sflag:s28] =	ssyncadd.s32 $0xFFFFFF80  }
0xf4: {  	_ =	swait.ge [sflag:s28], $0x80  }
0xf5: {  	[sflag:s28] =	ssyncset.done $0x0  }
0xf6: {  	[sflag:s28] =	ssyncadd.s32 $0xFFFFFF80  }
0xf7: {  	_ =	swait.ge [sflag:s28], $0x80  }
0xf8: {  	[sflag:s28] =	ssyncset.done $0x0  }
0xf9: {  	[sflag:s28] =	ssyncadd.s32 $0xFFFFFF80  }
0xfa: {  	_ =	swait.ge [sflag:s28], $0x80  }
0xfb: {  	[sflag:s28] =	ssyncset.done $0x0  }
0xfc: {  	[sflag:s28] =	ssyncadd.s32 $0xFFFFFF80  }
0xfd: {  	_ =	swait.ge [sflag:s28], $0x80  }
0xfe: {  	[sflag:s28] =	ssyncset.done $0x0  }
0xff: {  	[sflag:s28] =	ssyncadd.s32 $0xFFFFFF80  }
0x100: {  	_ =	swait.ge [sflag:s28], $0x80  }
0x101: {  	[sflag:s28] =	ssyncset.done $0x0  }
0x102: {  	[sflag:s28] =	ssyncadd.s32 $0xFFFFFF80  }
0x103: {  	_ =	swait.ge [sflag:s28], $0x80  }
0x104: {  	[sflag:s28] =	ssyncset.done $0x0  }
0x105: {  	[sflag:s28] =	ssyncadd.s32 $0xFFFFFF80  }
0x106: {  	_ =	swait.ge [sflag:s28], $0x80  }
0x107: {  	s29 =	ssub.s32 $0x2, s29;
	[sflag:s28] =	ssyncset.done $0x0  }
0x108: {  	s30 =	sshrl.u32 s29, $0x1;
	[sflag:s28] =	ssyncadd.s32 $0xFFFFFF80  }
0x109: {  	s29 =	ssub.s32 s29, s30;
	_ =	swait.ge [sflag:s28], $0x80  }
0x10a: {  	s29 =	smax.u32 s29, $0x1;
	[sflag:s28] =	ssyncset.done $0x0  }
0x10b: {  	s30 =	sadd.s32 $0xFFFFFFFF, s29;
	[sflag:s28] =	ssyncadd.s32 $0xFFFFFF80  }
0x10c: {  	p1 =	sne.s32 s30, $0x0;
	_ =	swait.ge [sflag:s28], $0x80  }
.Ltmp0:
0x10d: {  	[sflag:s28] =	ssyncset.done $0x0;
	(pc) =	sbr.rel @!p1 .LBB2_2-.Ltmp0, $4  }
0x10e: {  	[sflag:s28] =	ssyncadd.s32 $0xFFFFFF80  }
0x10f: {  	s29 =	simm.s32 $0x2100;
	[bflag:$0x0] =	sbarrier.arrive $0xFFFF  }
0x110: {  	[tilespmem:s29], [sflag:$0x3] =	stream.linear.gather [spmem:s4], $0x7A10, $0x38;
	[tilespmem:$0x11598] =	vst v63  }
0x111: {  	_ =	swait.ge [sflag:s5], $0x7A10  }
.LBB2_1:
0x112: {  	[sflag:s5] =	ssyncset.done $0x0  }
0x113: {  	s31 =	rddreg [dreg:$0xe];
	[sflag:s5] =	ssyncadd.s32 $0xFFFF85F0  }
0x114: {  	[hbm4b:s31+s2] =	stream.linear.scatter [tilespmem:s29], [sflag:$0x3], $0x7A10, $0x38;
	[tilespmem:$0x11598] =	vst v63  }
0x115: {  	_ =	swait.ge [sflag:s5], $0x7A10  }
0x116: {  	[sflag:s5] =	ssyncset.done $0x0  }
0x117: {  	s1 =	simm.s32 @!p0 $0x3;
	s31 =	simm.s32 @!p0 $0x2100;
	[sflag:s5] =	ssyncadd.s32 $0xFFFF85F0  }
0x118: {  	[tilespmem:s31], [sflag:$0x3] =	stream.linear.gather @!p0 [spmem:s7], $0x20, $0x38;
	[tilespmem:$0x11598] =	vst v63  }
0x119: {  	_ =	swait.ge @!p0 [sflag:s1], $0x20  }
0x11a: {  	[sflag:s1] =	ssyncset.done @!p0 $0x0  }
0x11b: {  	s0 =	rddreg [dreg:$0xf];
	[sflag:s1] =	ssyncadd.s32 @!p0 $0xFFFFFFE0  }
0x11c: {  	[hbm4b:s0+s6] =	stream.linear.scatter @!p0 [tilespmem:s31], [sflag:$0x3], $0x20, $0x38;
	[tilespmem:$0x11598] =	vst v63  }
0x11d: {  	_ =	swait.ge @!p0 [sflag:s1], $0x20  }
0x11e: {  	[sflag:s1] =	ssyncset.done @!p0 $0x0  }
0x11f: {  	s31 =	rddreg [dreg:$0x5];
	[sflag:s1] =	ssyncadd.s32 @!p0 $0xFFFFFFE0  }
0x120: {  	[tilespmem:s2], [sflag:$0x3] =	stream.linear.gather [hbm4b:s31+s2], $0x1000, $0x38;
	[tilespmem:$0x11598] =	vst v63  }
0x121: {  	_ =	swait.ge [sflag:s5], $0x1000  }
0x122: {  	[sflag:s5] =	ssyncset.done $0x0  }
0x123: {  	[sflag:s5] =	ssyncadd.s32 $0xFFFFF000  }
0x124: {  	[spmem:s4] =	stream.linear.scatter [tilespmem:s2], [sflag:$0x1], $0x1000, $0x38;
	[tilespmem:$0x11598] =	vst v63  }
0x125: {  	s31 =	rddreg [dreg:$0x6]  }
0x126: {  	[spmem:s31] =	stream.linear.scatter [tilespmem:s2], [sflag:$0x1], $0x1000, $0x38;
	[tilespmem:$0x11598] =	vst v63  }
0x127: {  	s1 =	rddreg [dreg:$0x7]  }
0x128: {  	[spmem:s1] =	stream.linear.scatter [tilespmem:s2], [sflag:$0x1], $0x1000, $0x38;
	[tilespmem:$0x11598] =	vst v63  }
0x129: {  	s31 =	rddreg [dreg:$0x8]  }
0x12a: {  	[spmem:s31] =	stream.linear.scatter [tilespmem:s2], [sflag:$0x1], $0x1000, $0x38;
	[tilespmem:$0x11598] =	vst v63  }
0x12b: {  	s1 =	rddreg [dreg:$0x9]  }
0x12c: {  	[spmem:s1] =	stream.linear.scatter [tilespmem:s2], [sflag:$0x1], $0x1000, $0x38;
	[tilespmem:$0x11598] =	vst v63  }
0x12d: {  	s31 =	rddreg [dreg:$0xa]  }
0x12e: {  	[spmem:s31] =	stream.linear.scatter [tilespmem:s2], [sflag:$0x1], $0x1000, $0x38;
	[tilespmem:$0x11598] =	vst v63  }
0x12f: {  	s1 =	rddreg [dreg:$0xb]  }
0x130: {  	[spmem:s1] =	stream.linear.scatter [tilespmem:s2], [sflag:$0x1], $0x1000, $0x38;
	[tilespmem:$0x11598] =	vst v63  }
0x131: {  	s31 =	rddreg [dreg:$0xc]  }
0x132: {  	[spmem:s31] =	stream.linear.scatter [tilespmem:s2], [sflag:$0x1], $0xA10, $0x38;
	[tilespmem:$0x11598] =	vst v63  }
0x133: {  	_ = 	snop  }
0x134: {  	[spmem:s7] =	stream.linear.scatter @!p0 [tilespmem:s6], [sflag:$0x1], $0x20, $0x38;
	[tilespmem:$0x11598] =	vst v63  }
0x135: {  	_ =	swait.ge @!p0 [sflag:s8], $0x20  }
0x136: {  	[sflag:s8] =	ssyncset.done @!p0 $0x0  }
0x137: {  	s31 =	rddreg [dreg:$0xd];
	[sflag:s8] =	ssyncadd.s32 @!p0 $0xFFFFFFE0  }
0x138: {  	[tilespmem:s9], [sflag:$0x3] =	stream.linear.gather [hbm4b:s31+s2], $0x1000, $0x38;
	[tilespmem:$0x11598] =	vst v63  }
0x139: {  	_ =	swait.ge [sflag:s5], $0x1000  }
0x13a: {  	[sflag:s5] =	ssyncset.done $0x0  }
0x13b: {  	[sflag:s5] =	ssyncadd.s32 $0xFFFFF000  }
0x13c: {  	[tilespmem:$0x20F0] =	vst v0  }
0x13d: {  	[tilespmem:$0x2070] =	vst v1  }
0x13e: {  	[tilespmem:$0x20E0] =	vst v0  }
0x13f: {  	[tilespmem:$0x2060] =	vst v1  }
0x140: {  	[tilespmem:$0x20D0] =	vst v0  }
0x141: {  	[tilespmem:$0x2050] =	vst v1  }
0x142: {  	[tilespmem:$0x20C0] =	vst v0  }
0x143: {  	[tilespmem:$0x2040] =	vst v1  }
0x144: {  	[tilespmem:$0x20B0] =	vst v0  }
0x145: {  	[tilespmem:$0x2030] =	vst v1  }
0x146: {  	[tilespmem:$0x20A0] =	vst v0  }
0x147: {  	[tilespmem:$0x2020] =	vst v1  }
0x148: {  	[tilespmem:$0x2090] =	vst v0  }
0x149: {  	[tilespmem:$0x2010] =	vst v1  }
0x14a: {  	[tilespmem:$0x2000] =	vst v1  }
0x14b: {  	[tilespmem:$0x2080] =	vst v0  }
0x14c: {  	_ =	swait.ge [sflag:s10], $0x1000  }
0x14d: {  	[sflag:s10] =	ssyncset.done $0x0  }
0x14e: {  	[sflag:s10] =	ssyncadd.s32 $0xFFFFF000  }
0x14f: {  	_ =	swait.ge [sflag:s10], $0x1000  }
0x150: {  	[sflag:s10] =	ssyncset.done $0x0  }
0x151: {  	[sflag:s10] =	ssyncadd.s32 $0xFFFFF000  }
0x152: {  	_ =	swait.ge [sflag:s10], $0x1000  }
0x153: {  	[sflag:s10] =	ssyncset.done $0x0  }
0x154: {  	[sflag:s10] =	ssyncadd.s32 $0xFFFFF000  }
0x155: {  	_ =	swait.ge [sflag:s10], $0x1000  }
0x156: {  	[sflag:s10] =	ssyncset.done $0x0  }
0x157: {  	[sflag:s10] =	ssyncadd.s32 $0xFFFFF000  }
0x158: {  	_ =	swait.ge [sflag:s10], $0x1000  }
0x159: {  	[sflag:s10] =	ssyncset.done $0x0  }
0x15a: {  	[sflag:s10] =	ssyncadd.s32 $0xFFFFF000  }
0x15b: {  	_ =	swait.ge [sflag:s10], $0x1000  }
0x15c: {  	[sflag:s10] =	ssyncset.done $0x0  }
0x15d: {  	[sflag:s10] =	ssyncadd.s32 $0xFFFFF000  }
0x15e: {  	_ =	swait.ge [sflag:s10], $0x1000  }
0x15f: {  	[sflag:s10] =	ssyncset.done $0x0  }
0x160: {  	[sflag:s10] =	ssyncadd.s32 $0xFFFFF000  }
0x161: {  	_ =	swait.ge [sflag:s10], $0xA10  }
0x162: {  	[sflag:s10] =	ssyncset.done $0x0  }
0x163: {  	[sflag:s10] =	ssyncadd.s32 $0xFFFFF5F0  }
0x164: {  	[bflag:$0x0] =	sbarrier.arrive $0xFFFF  }
0x165: {  	s1 =	rddreg [dreg:$0x10]  }
0x166: {  	[spmem:s3] =	stream.indirect.scatter.add.s32 [tilespmem:s12], [sflag:$0x2], $0x1, s9, s11, $0xb8;
	[tilespmem:$0x11598] =	vst v63  }
0x167: {  	s31 =	rddreg [dreg:$0x11]  }
0x168: {  	[spmem:s3] =	stream.indirect.scatter.add.s32 [tilespmem:s12], [sflag:$0x2], $0x1, s1, s11, $0xb8;
	[tilespmem:$0x11598] =	vst v63  }
0x169: {  	s0 =	rddreg [dreg:$0x12]  }
0x16a: {  	[spmem:s3] =	stream.indirect.scatter.add.s32 [tilespmem:s12], [sflag:$0x2], $0x1, s31, s11, $0xb8;
	[tilespmem:$0x11598] =	vst v63  }
0x16b: {  	s31 =	rddreg [dreg:$0x13]  }
0x16c: {  	[spmem:s3] =	stream.indirect.scatter.add.s32 [tilespmem:s12], [sflag:$0x2], $0x1, s0, s11, $0xb8;
	[tilespmem:$0x11598] =	vst v63  }
0x16d: {  	s0 =	rddreg [dreg:$0x14]  }
0x16e: {  	[spmem:s3] =	stream.indirect.scatter.add.s32 [tilespmem:s12], [sflag:$0x2], $0x1, s31, s11, $0xb8;
	[tilespmem:$0x11598] =	vst v63  }
0x16f: {  	s31 =	rddreg [dreg:$0x15]  }
0x170: {  	[spmem:s3] =	stream.indirect.scatter.add.s32 [tilespmem:s12], [sflag:$0x2], $0x1, s0, s11, $0xb8;
	[tilespmem:$0x11598] =	vst v63  }
0x171: {  	s0 =	rddreg [dreg:$0x16]  }
0x172: {  	[spmem:s3] =	stream.indirect.scatter.add.s32 [tilespmem:s12], [sflag:$0x2], $0x1, s31, s11, $0xb8;
	[tilespmem:$0x11598] =	vst v63  }
0x173: {  	s31 =	rddreg [dreg:$0x17]  }
0x174: {  	[spmem:s3] =	stream.indirect.scatter.add.s32 [tilespmem:s12], [sflag:$0x2], $0x1, s0, s11, $0xb8;
	[tilespmem:$0x11598] =	vst v63  }
0x175: {  	s0 =	rddreg [dreg:$0x18]  }
0x176: {  	[spmem:s3] =	stream.indirect.scatter.add.s32 [tilespmem:s12], [sflag:$0x2], $0x1, s31, s11, $0xb8;
	[tilespmem:$0x11598] =	vst v63  }
0x177: {  	s31 =	rddreg [dreg:$0x19]  }
0x178: {  	[spmem:s3] =	stream.indirect.scatter.add.s32 [tilespmem:s12], [sflag:$0x2], $0x1, s0, s11, $0xb8;
	[tilespmem:$0x11598] =	vst v63  }
0x179: {  	s0 =	rddreg [dreg:$0x1a]  }
0x17a: {  	[spmem:s3] =	stream.indirect.scatter.add.s32 [tilespmem:s12], [sflag:$0x2], $0x1, s31, s11, $0xb8;
	[tilespmem:$0x11598] =	vst v63  }
0x17b: {  	s31 =	rddreg [dreg:$0x1b]  }
0x17c: {  	[spmem:s3] =	stream.indirect.scatter.add.s32 [tilespmem:s12], [sflag:$0x2], $0x1, s0, s11, $0xb8;
	[tilespmem:$0x11598] =	vst v63  }
0x17d: {  	s0 =	rddreg [dreg:$0x1c]  }
0x17e: {  	[spmem:s3] =	stream.indirect.scatter.add.s32 [tilespmem:s12], [sflag:$0x2], $0x1, s31, s11, $0xb8;
	[tilespmem:$0x11598] =	vst v63  }
0x17f: {  	s31 =	rddreg [dreg:$0x1d]  }
0x180: {  	[spmem:s3] =	stream.indirect.scatter.add.s32 [tilespmem:s12], [sflag:$0x2], $0x1, s0, s11, $0xb8;
	[tilespmem:$0x11598] =	vst v63  }
0x181: {  	s0 =	rddreg [dreg:$0x1e]  }
0x182: {  	[spmem:s3] =	stream.indirect.scatter.add.s32 [tilespmem:s12], [sflag:$0x2], $0x1, s31, s11, $0xb8;
	[tilespmem:$0x11598] =	vst v63  }
0x183: {  	s31 =	rddreg [dreg:$0x1f]  }
0x184: {  	[spmem:s3] =	stream.indirect.scatter.add.s32 [tilespmem:s12], [sflag:$0x2], $0x1, s0, s11, $0xb8;
	[tilespmem:$0x11598] =	vst v63  }
0x185: {  	s0 =	sld [smem:$0x7FC]  }
0x186: {  	[spmem:s3] =	stream.indirect.scatter.add.s32 [tilespmem:s12], [sflag:$0x2], $0x1, s31, s11, $0xb8;
	[tilespmem:$0x11598] =	vst v63  }
0x187: {  	s31 =	sld [smem:$0x7FD]  }
0x188: {  	[spmem:s3] =	stream.indirect.scatter.add.s32 [tilespmem:s12], [sflag:$0x2], $0x1, s0, s11, $0xb8;
	[tilespmem:$0x11598] =	vst v63  }
0x189: {  	_ = 	snop  }
0x18a: {  	[spmem:s3] =	stream.indirect.scatter.add.s32 [tilespmem:s12], [sflag:$0x2], $0x1, s31, s11, $0xb8;
	[tilespmem:$0x11598] =	vst v63  }
0x18b: {  	_ = 	snop  }
0x18c: {  	[spmem:s3] =	stream.indirect.scatter.add.s32 [tilespmem:s12], [sflag:$0x2], $0x1, s13, s11, $0xb8;
	[tilespmem:$0x11598] =	vst v63  }
0x18d: {  	_ = 	snop  }
0x18e: {  	[spmem:s3] =	stream.indirect.scatter.add.s32 [tilespmem:s12], [sflag:$0x2], $0x1, s14, s11, $0xb8;
	[tilespmem:$0x11598] =	vst v63  }
0x18f: {  	_ = 	snop  }
0x190: {  	[spmem:s3] =	stream.indirect.scatter.add.s32 [tilespmem:s12], [sflag:$0x2], $0x1, s15, s11, $0xb8;
	[tilespmem:$0x11598] =	vst v63  }
0x191: {  	_ = 	snop  }
0x192: {  	[spmem:s3] =	stream.indirect.scatter.add.s32 [tilespmem:s12], [sflag:$0x2], $0x1, s16, s11, $0xb8;
	[tilespmem:$0x11598] =	vst v63  }
0x193: {  	_ = 	snop  }
0x194: {  	[spmem:s3] =	stream.indirect.scatter.add.s32 [tilespmem:s12], [sflag:$0x2], $0x1, s17, s11, $0xb8;
	[tilespmem:$0x11598] =	vst v63  }
0x195: {  	_ = 	snop  }
0x196: {  	[spmem:s3] =	stream.indirect.scatter.add.s32 [tilespmem:s12], [sflag:$0x2], $0x1, s18, s11, $0xb8;
	[tilespmem:$0x11598] =	vst v63  }
0x197: {  	_ = 	snop  }
0x198: {  	[spmem:s3] =	stream.indirect.scatter.add.s32 [tilespmem:s12], [sflag:$0x2], $0x1, s19, s11, $0xb8;
	[tilespmem:$0x11598] =	vst v63  }
0x199: {  	_ = 	snop  }
0x19a: {  	[spmem:s3] =	stream.indirect.scatter.add.s32 [tilespmem:s12], [sflag:$0x2], $0x1, s20, s11, $0xb8;
	[tilespmem:$0x11598] =	vst v63  }
0x19b: {  	_ = 	snop  }
0x19c: {  	[spmem:s3] =	stream.indirect.scatter.add.s32 [tilespmem:s12], [sflag:$0x2], $0x1, s21, s11, $0xb8;
	[tilespmem:$0x11598] =	vst v63  }
0x19d: {  	_ = 	snop  }
0x19e: {  	[spmem:s3] =	stream.indirect.scatter.add.s32 [tilespmem:s12], [sflag:$0x2], $0x1, s22, s11, $0xb8;
	[tilespmem:$0x11598] =	vst v63  }
0x19f: {  	_ = 	snop  }
0x1a0: {  	[spmem:s3] =	stream.indirect.scatter.add.s32 [tilespmem:s12], [sflag:$0x2], $0x1, s23, s11, $0xb8;
	[tilespmem:$0x11598] =	vst v63  }
0x1a1: {  	_ = 	snop  }
0x1a2: {  	[spmem:s3] =	stream.indirect.scatter.add.s32 [tilespmem:s12], [sflag:$0x2], $0x1, s24, s11, $0xb8;
	[tilespmem:$0x11598] =	vst v63  }
0x1a3: {  	_ = 	snop  }
0x1a4: {  	[spmem:s3] =	stream.indirect.scatter.add.s32 [tilespmem:s12], [sflag:$0x2], $0x1, s25, s11, $0xb8;
	[tilespmem:$0x11598] =	vst v63  }
0x1a5: {  	_ = 	snop  }
0x1a6: {  	[spmem:s3] =	stream.indirect.scatter.add.s32 [tilespmem:s12], [sflag:$0x2], $0x1, s26, s11, $0xb8;
	[tilespmem:$0x11598] =	vst v63  }
0x1a7: {  	_ =	swait.ge [sflag:s28], $0x80  }
0x1a8: {  	[sflag:s28] =	ssyncset.done $0x0  }
0x1a9: {  	[sflag:s28] =	ssyncadd.s32 $0xFFFFFF80  }
0x1aa: {  	_ =	swait.ge [sflag:s28], $0x80  }
0x1ab: {  	[sflag:s28] =	ssyncset.done $0x0  }
0x1ac: {  	[sflag:s28] =	ssyncadd.s32 $0xFFFFFF80  }
0x1ad: {  	_ =	swait.ge [sflag:s28], $0x80  }
0x1ae: {  	[sflag:s28] =	ssyncset.done $0x0  }
0x1af: {  	[sflag:s28] =	ssyncadd.s32 $0xFFFFFF80  }
0x1b0: {  	_ =	swait.ge [sflag:s28], $0x80  }
0x1b1: {  	[sflag:s28] =	ssyncset.done $0x0  }
0x1b2: {  	[sflag:s28] =	ssyncadd.s32 $0xFFFFFF80  }
0x1b3: {  	_ =	swait.ge [sflag:s28], $0x80  }
0x1b4: {  	[sflag:s28] =	ssyncset.done $0x0  }
0x1b5: {  	[sflag:s28] =	ssyncadd.s32 $0xFFFFFF80  }
0x1b6: {  	_ =	swait.ge [sflag:s28], $0x80  }
0x1b7: {  	[sflag:s28] =	ssyncset.done $0x0  }
0x1b8: {  	[sflag:s28] =	ssyncadd.s32 $0xFFFFFF80  }
0x1b9: {  	_ =	swait.ge [sflag:s28], $0x80  }
0x1ba: {  	[sflag:s28] =	ssyncset.done $0x0  }
0x1bb: {  	[sflag:s28] =	ssyncadd.s32 $0xFFFFFF80  }
0x1bc: {  	_ =	swait.ge [sflag:s28], $0x80  }
0x1bd: {  	[sflag:s28] =	ssyncset.done $0x0  }
0x1be: {  	[sflag:s28] =	ssyncadd.s32 $0xFFFFFF80  }
0x1bf: {  	_ =	swait.ge [sflag:s28], $0x80  }
0x1c0: {  	[sflag:s28] =	ssyncset.done $0x0  }
0x1c1: {  	[sflag:s28] =	ssyncadd.s32 $0xFFFFFF80  }
0x1c2: {  	_ =	swait.ge [sflag:s28], $0x80  }
0x1c3: {  	[sflag:s28] =	ssyncset.done $0x0  }
0x1c4: {  	[sflag:s28] =	ssyncadd.s32 $0xFFFFFF80  }
0x1c5: {  	_ =	swait.ge [sflag:s28], $0x80  }
0x1c6: {  	[sflag:s28] =	ssyncset.done $0x0  }
0x1c7: {  	[sflag:s28] =	ssyncadd.s32 $0xFFFFFF80  }
0x1c8: {  	_ =	swait.ge [sflag:s28], $0x80  }
0x1c9: {  	[sflag:s28] =	ssyncset.done $0x0  }
0x1ca: {  	[sflag:s28] =	ssyncadd.s32 $0xFFFFFF80  }
0x1cb: {  	_ =	swait.ge [sflag:s28], $0x80  }
0x1cc: {  	[sflag:s28] =	ssyncset.done $0x0  }
0x1cd: {  	[sflag:s28] =	ssyncadd.s32 $0xFFFFFF80  }
0x1ce: {  	_ =	swait.ge [sflag:s28], $0x80  }
0x1cf: {  	[sflag:s28] =	ssyncset.done $0x0  }
0x1d0: {  	[sflag:s28] =	ssyncadd.s32 $0xFFFFFF80  }
0x1d1: {  	_ =	swait.ge [sflag:s28], $0x80  }
0x1d2: {  	[sflag:s28] =	ssyncset.done $0x0  }
0x1d3: {  	[sflag:s28] =	ssyncadd.s32 $0xFFFFFF80  }
0x1d4: {  	_ =	swait.ge [sflag:s28], $0x80  }
0x1d5: {  	[sflag:s28] =	ssyncset.done $0x0  }
0x1d6: {  	[sflag:s28] =	ssyncadd.s32 $0xFFFFFF80  }
0x1d7: {  	_ =	swait.ge [sflag:s28], $0x80  }
0x1d8: {  	[sflag:s28] =	ssyncset.done $0x0  }
0x1d9: {  	[sflag:s28] =	ssyncadd.s32 $0xFFFFFF80  }
0x1da: {  	_ =	swait.ge [sflag:s28], $0x80  }
0x1db: {  	[sflag:s28] =	ssyncset.done $0x0  }
0x1dc: {  	[sflag:s28] =	ssyncadd.s32 $0xFFFFFF80  }
0x1dd: {  	_ =	swait.ge [sflag:s28], $0x80  }
0x1de: {  	[sflag:s28] =	ssyncset.done $0x0  }
0x1df: {  	[sflag:s28] =	ssyncadd.s32 $0xFFFFFF80  }
0x1e0: {  	_ =	swait.ge [sflag:s28], $0x80  }
0x1e1: {  	[sflag:s28] =	ssyncset.done $0x0  }
0x1e2: {  	[sflag:s28] =	ssyncadd.s32 $0xFFFFFF80  }
0x1e3: {  	_ =	swait.ge [sflag:s28], $0x80  }
0x1e4: {  	[sflag:s28] =	ssyncset.done $0x0  }
0x1e5: {  	[sflag:s28] =	ssyncadd.s32 $0xFFFFFF80  }
0x1e6: {  	_ =	swait.ge [sflag:s28], $0x80  }
0x1e7: {  	[sflag:s28] =	ssyncset.done $0x0  }
0x1e8: {  	[sflag:s28] =	ssyncadd.s32 $0xFFFFFF80  }
0x1e9: {  	_ =	swait.ge [sflag:s28], $0x80  }
0x1ea: {  	[sflag:s28] =	ssyncset.done $0x0  }
0x1eb: {  	[sflag:s28] =	ssyncadd.s32 $0xFFFFFF80  }
0x1ec: {  	_ =	swait.ge [sflag:s28], $0x80  }
0x1ed: {  	[sflag:s28] =	ssyncset.done $0x0  }
0x1ee: {  	[sflag:s28] =	ssyncadd.s32 $0xFFFFFF80  }
0x1ef: {  	_ =	swait.ge [sflag:s28], $0x80  }
0x1f0: {  	[sflag:s28] =	ssyncset.done $0x0  }
0x1f1: {  	[sflag:s28] =	ssyncadd.s32 $0xFFFFFF80  }
0x1f2: {  	_ =	swait.ge [sflag:s28], $0x80  }
0x1f3: {  	[sflag:s28] =	ssyncset.done $0x0  }
0x1f4: {  	[sflag:s28] =	ssyncadd.s32 $0xFFFFFF80  }
0x1f5: {  	_ =	swait.ge [sflag:s28], $0x80  }
0x1f6: {  	[sflag:s28] =	ssyncset.done $0x0  }
0x1f7: {  	[sflag:s28] =	ssyncadd.s32 $0xFFFFFF80  }
0x1f8: {  	_ =	swait.ge [sflag:s28], $0x80  }
0x1f9: {  	[sflag:s28] =	ssyncset.done $0x0  }
0x1fa: {  	[sflag:s28] =	ssyncadd.s32 $0xFFFFFF80  }
0x1fb: {  	_ =	swait.ge [sflag:s28], $0x80  }
0x1fc: {  	[sflag:s28] =	ssyncset.done $0x0  }
0x1fd: {  	[sflag:s28] =	ssyncadd.s32 $0xFFFFFF80  }
0x1fe: {  	_ =	swait.ge [sflag:s28], $0x80  }
0x1ff: {  	[sflag:s28] =	ssyncset.done $0x0  }
0x200: {  	[sflag:s28] =	ssyncadd.s32 $0xFFFFFF80  }
0x201: {  	_ =	swait.ge [sflag:s28], $0x80  }
0x202: {  	[sflag:s28] =	ssyncset.done $0x0  }
0x203: {  	[sflag:s28] =	ssyncadd.s32 $0xFFFFFF80  }
0x204: {  	_ =	swait.ge [sflag:s28], $0x80  }
0x205: {  	[sflag:s28] =	ssyncset.done $0x0  }
0x206: {  	s30 =	sadd.s32 $0xFFFFFFFF, s30;
	[sflag:s28] =	ssyncadd.s32 $0xFFFFFF80  }
0x207: {  	p1 =	sne.s32 s30, $0x0;
	_ =	swait.ge [sflag:s28], $0x80  }
.Ltmp1:
0x208: {  	[sflag:s28] =	ssyncset.done $0x0;
	(pc) =	sbr.rel @p1 .LBB2_1-.Ltmp1, $4  }
0x209: {  	[sflag:s28] =	ssyncadd.s32 $0xFFFFFF80  }
0x20a: {  	[bflag:$0x0] =	sbarrier.arrive $0xFFFF  }
0x20b: {  	[tilespmem:s29], [sflag:$0x3] =	stream.linear.gather [spmem:s4], $0x7A10, $0x38;
	[tilespmem:$0x11598] =	vst v63  }
0x20c: {  	_ =	swait.ge [sflag:s5], $0x7A10  }
.LBB2_2:
0x20d: {  	[sflag:s5] =	ssyncset.done $0x0  }
0x20e: {  	s0 =	rddreg [dreg:$0xe];
	[sflag:s5] =	ssyncadd.s32 $0xFFFF85F0  }
0x20f: {  	[hbm4b:s0+s2] =	stream.linear.scatter [tilespmem:s29], [sflag:$0x3], $0x7A10, $0x38;
	[tilespmem:$0x11598] =	vst v63  }
0x210: {  	_ =	swait.ge [sflag:s5], $0x7A10  }
0x211: {  	[sflag:s5] =	ssyncset.done $0x0  }
0x212: {  	s1 =	simm.s32 @!p0 $0x3;
	s0 =	simm.s32 @!p0 $0x2100;
	[sflag:s5] =	ssyncadd.s32 $0xFFFF85F0  }
0x213: {  	[tilespmem:s0], [sflag:$0x3] =	stream.linear.gather @!p0 [spmem:s7], $0x20, $0x38;
	[tilespmem:$0x11598] =	vst v63  }
0x214: {  	_ =	swait.ge @!p0 [sflag:s1], $0x20  }
0x215: {  	[sflag:s1] =	ssyncset.done @!p0 $0x0  }
0x216: {  	s2 =	rddreg [dreg:$0xf];
	[sflag:s1] =	ssyncadd.s32 @!p0 $0xFFFFFFE0  }
0x217: {  	[hbm4b:s2+s6] =	stream.linear.scatter @!p0 [tilespmem:s0], [sflag:$0x3], $0x20, $0x38;
	[tilespmem:$0x11598] =	vst v63  }
0x218: {  	_ =	swait.ge @!p0 [sflag:s1], $0x20  }
0x219: {  	[sflag:s1] =	ssyncset.done @!p0 $0x0  }
0x21a: {  	[sflag:s1] =	ssyncadd.s32 @!p0 $0xFFFFFFE0  }
0x21b: {  	_ =	sfence.sel $0x180000  }
0x21c: {  	[bflag:$0x0] =	sbarrier.arrive $0xFFFF  }
0x21d: {  	_ =	strace $0x90000047  }
0x21e: {  	s31 =	stileid.u32;
	[bflag:$0x2] =	sbarrier.arrive $0xFFFF  }
0x21f: {  	p0 =	sne.s32 s31, $0x0;
	s0 =	rddreg [dreg:$0x4]  }
0x220: {  	s0 =	sadd.s32 @!p0 $0x100000, s0  }
0x221: {  	[sflag:s0] =	ssyncadd.tile.s32 @!p0 $0x1;
	_ =	shalt  }
.Lfunc_end2:
_tile_overlayer_lowered:
.L_overlay_start_2:
0x222: {  	(tag) =	ssettag $0x2  }
0x223: {  	s0 =	rddreg [dreg:$0x0];
	s2 =	stileid.u32  }
0x224: {  	s1 =	rddreg [dreg:$0x1];
	p0 =	sne.s32 s2, $0x0  }
0x225: {  	s3 =	rddreg [dreg:$0x2];
	[bflag:$0x3] =	sbarrier.arrive $0xFFFF;
	s2 =	simm.s32 @!p0 $0x1C03  }
0x226: {  	[timem:s3], [sflag:s2] =	dma.local @!p0 [hbm:s0], s1  }
0x227: {  	s0 =	simm.s32 @!p0 $0x3  }
0x228: {  	_ =	swait.ge @!p0 [sflag:s0], s1  }
0x229: {  	s1 =	ssub.s32 @!p0 $0x0, s1;
	[sflag:s0] =	ssyncset.done @!p0 $0x0  }
0x22a: {  	[sflag:s0] =	ssyncadd.s32 @!p0 s1  }
0x22b: {  	[bflag:$0x3] =	sbarrier.arrive $0xFFFF  }
0x22c: {  	_ =	shalt  }

</sc_bundles>
